<compile_context>
chip_gen: v7x
topology: tpu7x:2x2x1
jax: 0.10.2.dev20260603
libtpu: 0.0.44.dev20260713+nightly
codegen_flags: <defaults>
</compile_context>

<pallas_src>
import functools

import jax
import jax.numpy as jnp
from jax import lax
from jax.experimental import pallas as pl
from jax.experimental.pallas import tpu as pltpu
from jax.experimental.pallas import tpu_sc as plsc

R = 4096
C = 4096
N_BINS = 128
RB = 256
GRID = R // RB
NW = 32
EPT = (R * C) // NW
CHUNK = 16384
NCHUNK = EPT // CHUNK
LANES = 16
VPC = CHUNK // LANES


def _stats_body(x_ref, v_ref, colmean_ref, scal_ref):
    i = pl.program_id(0)
    x = x_ref[...]
    m = jnp.max(x, axis=1, keepdims=True)
    e = jnp.exp(x - m)
    s = jnp.sum(e, axis=1, keepdims=True)
    r = 1.0 / s
    v = e * r
    v_ref[...] = v

    csum = jnp.sum(x, axis=0, keepdims=True)
    cmax = jnp.max(r)
    cmin = jnp.min(v)
    lane = lax.broadcasted_iota(jnp.int32, (1, N_BINS), 1)
    cur = jnp.where(lane == 0, cmin, cmax)

    @pl.when(i == 0)
    def _():
        colmean_ref[...] = csum
        scal_ref[...] = cur

    @pl.when(i > 0)
    def _():
        colmean_ref[...] = colmean_ref[...] + csum
        prev = scal_ref[...]
        scal_ref[...] = jnp.where(lane == 0, jnp.minimum(prev, cur),
                                  jnp.maximum(prev, cur))

    @pl.when(i == GRID - 1)
    def _():
        colmean_ref[...] = colmean_ref[...] * (1.0 / R)
        vals = scal_ref[...]
        gmin = jnp.min(jnp.where(lane == 0, vals, jnp.inf))
        gmax = jnp.max(jnp.where(lane == 0, -jnp.inf, vals))
        d = (gmax - gmin) / N_BINS
        invd = 1.0 / d
        scal_ref[...] = jnp.where(
            lane == 0, gmin,
            jnp.where(lane == 1, invd, jnp.where(lane == 2, d, gmax)))


NV = 16
HSTRIDE = N_BINS + 3
HCOPY = HSTRIDE * LANES
MAGIC = float(3 * 2 ** 22)


CROWS = 8
RPT = R // NW
NRCHUNK = RPT // CROWS
VPRC = CROWS * C // LANES


def _hist_body(v_hbm, scal_hbm, out_hbm, buf0, buf1, hist, redu, scal_v,
               sem0, sem1):
    wid = lax.axis_index("s") * 2 + lax.axis_index("c")
    row0 = wid * RPT

    pltpu.sync_copy(scal_hbm.at[pl.ds(0, LANES)], scal_v)
    sv = scal_v[pl.ds(0, LANES)]
    gmin = sv[0]
    invd = sv[1]
    c1 = gmin * invd + 0.5

    zeros = jnp.zeros((LANES,), jnp.float32)

    def zero_body(z, c):
        hist[pl.ds(z * LANES, LANES)] = zeros
        return c

    lax.fori_loop(0, NV * HCOPY // LANES, zero_body, 0)

    bias = jnp.int32(-0x4B400000)
    lane_f = lax.iota(jnp.int32, LANES).astype(jnp.float32) * float(HSTRIDE)
    magic_vec = [lane_f + (MAGIC + h * HCOPY + 1) for h in range(NV)]

    def process(b):
        def vblock(j):
            r = lax.shift_right_logical(j, 4)
            cb = lax.bitwise_and(j, 15) * (LANES * LANES)
            vecs = [b[r, pl.ds(cb + i * LANES, LANES)] for i in range(NV)]
            for i in range(NV):
                u = (vecs[i] * invd - c1) + magic_vec[i]
                addr = plsc.bitcast(u, jnp.int32) + bias
                plsc.addupdate_scatter(hist, [addr], vecs[i])

        plsc.parallel_loop(0, VPRC // NV, 1)(vblock)

    def start(k, b, sem):
        pltpu.make_async_copy(v_hbm.at[pl.ds(row0 + k * CROWS, CROWS)],
                              b, sem).start()

    def wait(b, sem):
        pltpu.make_async_copy(v_hbm.at[pl.ds(row0, CROWS)], b, sem).wait()

    start(0, buf0, sem0)
    start(1, buf1, sem1)

    def chunk_body(m, c):
        wait(buf0, sem0)
        process(buf0)

        @pl.when(m < NRCHUNK // 2 - 1)
        def _():
            start(2 * m + 2, buf0, sem0)

        wait(buf1, sem1)
        process(buf1)

        @pl.when(m < NRCHUNK // 2 - 1)
        def _():
            start(2 * m + 3, buf1, sem1)

        return c

    lax.fori_loop(0, NRCHUNK // 2, chunk_body, 0)

    def red_body(i, accs):
        off = i * HSTRIDE + 1
        return tuple(a + hist[pl.ds(off + g * LANES, LANES)]
                     for g, a in enumerate(accs))

    accs = lax.fori_loop(0, NV * LANES, red_body,
                         tuple(jnp.zeros((LANES,), jnp.float32)
                               for _ in range(N_BINS // LANES)))
    for g in range(N_BINS // LANES):
        redu[pl.ds(g * LANES, LANES)] = accs[g]

    pltpu.sync_copy(redu, out_hbm.at[pl.ds(wid * N_BINS, N_BINS)])


def _assemble_body(colmean_ref, parts_ref, out_ref):
    out_ref[:, :C] = colmean_ref[...]
    out_ref[:, C:] = jnp.sum(parts_ref[...], axis=0, keepdims=True)


def kernel(seq):
    x = seq[0]
    v, colmean, scal = pl.pallas_call(
        _stats_body,
        grid=(GRID,),
        in_specs=[pl.BlockSpec((RB, C), lambda i: (i, 0))],
        out_specs=[
            pl.BlockSpec((RB, C), lambda i: (i, 0)),
            pl.BlockSpec((1, C), lambda i: (0, 0)),
            pl.BlockSpec((1, N_BINS), lambda i: (0, 0)),
        ],
        out_shape=[
            jax.ShapeDtypeStruct((R, C), jnp.float32),
            jax.ShapeDtypeStruct((1, C), jnp.float32),
            jax.ShapeDtypeStruct((1, N_BINS), jnp.float32),
        ],
    )(x)

    hist_kernel = pl.kernel(
        _hist_body,
        mesh=plsc.VectorSubcoreMesh(core_axis_name="c", subcore_axis_name="s"),
        out_type=jax.ShapeDtypeStruct((NW * N_BINS,), jnp.float32),
        scratch_types=[
            pltpu.VMEM((CROWS, C), jnp.float32),
            pltpu.VMEM((CROWS, C), jnp.float32),
            pltpu.VMEM((NV * HCOPY,), jnp.float32),
            pltpu.VMEM((N_BINS,), jnp.float32),
            pltpu.VMEM((LANES,), jnp.float32),
            pltpu.SemaphoreType.DMA,
            pltpu.SemaphoreType.DMA,
        ],
        compiler_params=pltpu.CompilerParams(needs_layout_passes=False,
                                             use_tc_tiling_on_sc=True),
    )
    parts = hist_kernel(v, scal.reshape(-1))

    out = pl.pallas_call(
        _assemble_body,
        out_shape=jax.ShapeDtypeStruct((1, C + N_BINS), jnp.float32),
    )(colmean, parts.reshape(NW, N_BINS))
    return out

# --- scband reference (transcript-rebuilt; emitter-appended) ---
"""Pipeline reference for scband-nfgi-30906584662714 (READ-ONLY COPY).

The authoritative reference and input builder live on the scoring server;
editing this copy changes nothing except your own understanding.
"""

import jax, jax.numpy as jnp
import numpy as np

N_BINS = 128  # args.n
ADD_VECTOR = True  # args.addVector


def setup_inputs(seed: int = 0) -> dict:
    key = jax.random.key(seed)
    seq = jax.random.normal(key, (1, 4096, 4096), dtype=jnp.float32)
    return {"seq": seq}


def _nfgi_forward(seq):
    # softmax(seq): squeeze leading dim, row-wise softmax over last axis
    x = seq[0]  # [r, c]
    seq_nor = jax.nn.softmax(x, axis=1)  # [r, c], equivalent to the per-row exp/sum loop
    if ADD_VECTOR:
        flat = seq_nor.reshape(-1)
        MAX = jnp.max(flat)
        MIN = jnp.min(flat)
        d = (MAX - MIN) / N_BINS
        # count(): bin i sums values v with MIN + i*d <= v < MIN + (i+1)*d.
        # Equivalent vectorized form: floor-bin each element and scatter-add its value.
        idx = jnp.floor((flat - MIN) / d).astype(jnp.int32)
        valid = (idx >= 0) & (idx < N_BINS)  # the global max (idx == N_BINS) falls outside all bins, as in the torch code
        vals = jnp.where(valid, flat, 0.0)
        hist = jnp.zeros((N_BINS,), dtype=jnp.float32).at[jnp.clip(idx, 0, N_BINS - 1)].add(vals)
        mean_seq = jnp.mean(seq, axis=1)  # [1, c]
        return jnp.concatenate([mean_seq, hist[None, :]], axis=1)  # [1, c + n]
    else:
        return jnp.mean(seq, axis=1)


def reference(seq):
    return _nfgi_forward(seq)

if __name__ == "__main__":
    import jax
    _d = setup_inputs()
    print(jax.jit(kernel)(*tuple(_d.values())))

</pallas_src>

<mosaic_0001>
#map = affine_map<(d0, d1) -> (0, 0)>
#map1 = affine_map<(d0, d1) -> (0)>
module attributes {stable_mosaic.version = 14 : i64} {
  func.func @_hist_body(%arg0: i32, %arg1: i32, %arg2: memref<4096x4096xf32, #tpu.memory_space<hbm>>, %arg3: memref<128xf32, #tpu.memory_space<hbm>>, %arg4: memref<4096xf32, #tpu.memory_space<hbm>>, %arg5: memref<8x4096xf32, #tpu.memory_space<vmem>>, %arg6: memref<8x4096xf32, #tpu.memory_space<vmem>>, %arg7: memref<33536xf32, #tpu.memory_space<vmem>>, %arg8: memref<128xf32, #tpu.memory_space<vmem>>, %arg9: memref<16xf32, #tpu.memory_space<vmem>>, %arg10: memref<!tpu.dma_semaphore, #tpu.memory_space<semaphore_mem>>, %arg11: memref<!tpu.dma_semaphore, #tpu.memory_space<semaphore_mem>>) attributes {dimension_semantics = [#tpu.dimension_semantics<core_parallel>, #tpu.dimension_semantics<subcore_parallel>], iteration_bounds = array<i64: 2, 16>, scalar_prefetch = 0 : i64, scratch_operands = 7 : i64, tpu.core_type = #tpu.core_type<sc_vector_subcore>, window_params = [{transform_indices = #map}, {transform_indices = #map1}, {transform_indices = #map1}]} {
    %mul3A = arith.constant 2 : i32
    %mul3A_0 = arith.muli %arg1, %mul3A : i32
    %add3A = arith.addi %mul3A_0, %arg0 : i32
    %mul3A_1 = arith.constant 128 : i32
    %mul3A_2 = arith.muli %add3A, %mul3A_1 : i32
    "tpu.region"() ({
      %run_scoped3A = tpu.sem_alloc : memref<!tpu.dma_semaphore, #tpu.memory_space<semaphore_mem>>
      %dma_start3A_123 = arith.constant 0 : i32
      %dma_start3A_124 = tpu.memref_slice %arg3[%dma_start3A_123] : memref<128xf32, #tpu.memory_space<hbm>> -> memref<16xf32, #tpu.memory_space<hbm>>
      %dma_start3A_125 = arith.constant 0 : i32
      %dma_start3A_126 = tpu.memref_slice %arg3[%dma_start3A_125] : memref<128xf32, #tpu.memory_space<hbm>> -> memref<16xf32, #tpu.memory_space<hbm>>
      tpu.enqueue_dma source(%dma_start3A_126 : memref<16xf32, #tpu.memory_space<hbm>>) target(%arg9 : memref<16xf32, #tpu.memory_space<vmem>>) target_semaphore(%run_scoped3A : memref<!tpu.dma_semaphore, #tpu.memory_space<semaphore_mem>>)
      %dma_wait3A = arith.constant 0 : i32
      %dma_wait3A_127 = tpu.memref_slice %arg3[%dma_wait3A] : memref<128xf32, #tpu.memory_space<hbm>> -> memref<16xf32, #tpu.memory_space<hbm>>
      %dma_wait3A_128 = arith.constant 0 : i32
      %dma_wait3A_129 = tpu.memref_slice %arg3[%dma_wait3A_128] : memref<128xf32, #tpu.memory_space<hbm>> -> memref<16xf32, #tpu.memory_space<hbm>>
      tpu.wait_dma2 semaphore(%run_scoped3A : memref<!tpu.dma_semaphore, #tpu.memory_space<semaphore_mem>>) src(%dma_wait3A_129 : memref<16xf32, #tpu.memory_space<hbm>>) dst(%arg9 : memref<16xf32, #tpu.memory_space<vmem>>)
      tpu.yield
    }) : () -> ()
    %get3A = arith.constant 0 : index
    %get3A_3 = tpu.vector_load %arg9[%get3A] {strides = array<i32>} : memref<16xf32, #tpu.memory_space<vmem>>, vector<16xf32>,
    %slice3A = vector.extract_strided_slice %get3A_3 {offsets = [0], sizes = [1], strides = [1]} : vector<16xf32> to vector<1xf32>
    %squeeze3A = vector.extract %slice3A[0] : f32 from vector<1xf32>
    %slice3A_4 = vector.extract_strided_slice %get3A_3 {offsets = [1], sizes = [1], strides = [1]} : vector<16xf32> to vector<1xf32>
    %squeeze3A_5 = vector.extract %slice3A_4[0] : f32 from vector<1xf32>
    %mul3A_6 = arith.mulf %squeeze3A, %squeeze3A_5 : f32
    %add3A_7 = arith.constant 5.000000e-01 : f32
    %add3A_8 = arith.addf %mul3A_6, %add3A_7 : f32
    %broadcast_in_dim3A = arith.constant 0.000000e+00 : f32
    %broadcast_in_dim3A_9 = vector.broadcast %broadcast_in_dim3A : f32 to vector<16xf32>
    %scan3A = arith.constant 0 : i32
    %scan3A_10 = arith.constant 0 : i32
    %scan3A_11 = arith.constant 2096 : i32
    %scan3A_12 = arith.addi %scan3A_10, %scan3A_11 : i32
    %scan3A_13 = arith.constant 1 : i32
    scf.for %scan3A_123 = %scan3A_10 to %scan3A_12 step %scan3A_13  : i32 {
      %mul3A_124 = arith.constant 16 : i32
      %mul3A_125 = arith.muli %scan3A_123, %mul3A_124 : i32
      %swap3A_126 = arith.index_cast %mul3A_125 : i32 to index
      %swap3A_127 = tpu.vector_load %arg7[%swap3A_126] {strides = array<i32>} : memref<33536xf32, #tpu.memory_space<vmem>>, vector<16xf32>,
      tpu.vector_store %arg7[%swap3A_126], %broadcast_in_dim3A_9 {strides = array<i32>} : memref<33536xf32, #tpu.memory_space<vmem>>, vector<16xf32>,
    }
    %scan3A_14 = arith.constant 2096 : i32
    %iota3A = tpu.iota {dimensions = array<i32: 0>} : vector<16xi32>
    %convert_element_type3A = arith.sitofp %iota3A : vector<16xi32> to vector<16xf32>
    %mul3A_15 = arith.constant 1.310000e+02 : f32
    %mul3A_16 = vector.broadcast %mul3A_15 : f32 to vector<16xf32>
    %mul3A_17 = arith.mulf %convert_element_type3A, %mul3A_16 : vector<16xf32>
    %add3A_18 = arith.constant 0x4B400001 : f32
    %add3A_19 = vector.broadcast %add3A_18 : f32 to vector<16xf32>
    %add3A_20 = arith.addf %mul3A_17, %add3A_19 : vector<16xf32>
    %add3A_21 = arith.constant 0x4B400831 : f32
    %add3A_22 = vector.broadcast %add3A_21 : f32 to vector<16xf32>
    %add3A_23 = arith.addf %mul3A_17, %add3A_22 : vector<16xf32>
    %add3A_24 = arith.constant 0x4B401061 : f32
    %add3A_25 = vector.broadcast %add3A_24 : f32 to vector<16xf32>
    %add3A_26 = arith.addf %mul3A_17, %add3A_25 : vector<16xf32>
    %add3A_27 = arith.constant 0x4B401891 : f32
    %add3A_28 = vector.broadcast %add3A_27 : f32 to vector<16xf32>
    %add3A_29 = arith.addf %mul3A_17, %add3A_28 : vector<16xf32>
    %add3A_30 = arith.constant 0x4B4020C1 : f32
    %add3A_31 = vector.broadcast %add3A_30 : f32 to vector<16xf32>
    %add3A_32 = arith.addf %mul3A_17, %add3A_31 : vector<16xf32>
    %add3A_33 = arith.constant 0x4B4028F1 : f32
    %add3A_34 = vector.broadcast %add3A_33 : f32 to vector<16xf32>
    %add3A_35 = arith.addf %mul3A_17, %add3A_34 : vector<16xf32>
    %add3A_36 = arith.constant 0x4B403121 : f32
    %add3A_37 = vector.broadcast %add3A_36 : f32 to vector<16xf32>
    %add3A_38 = arith.addf %mul3A_17, %add3A_37 : vector<16xf32>
    %add3A_39 = arith.constant 0x4B403951 : f32
    %add3A_40 = vector.broadcast %add3A_39 : f32 to vector<16xf32>
    %add3A_41 = arith.addf %mul3A_17, %add3A_40 : vector<16xf32>
    %add3A_42 = arith.constant 0x4B404181 : f32
    %add3A_43 = vector.broadcast %add3A_42 : f32 to vector<16xf32>
    %add3A_44 = arith.addf %mul3A_17, %add3A_43 : vector<16xf32>
    %add3A_45 = arith.constant 0x4B4049B1 : f32
    %add3A_46 = vector.broadcast %add3A_45 : f32 to vector<16xf32>
    %add3A_47 = arith.addf %mul3A_17, %add3A_46 : vector<16xf32>
    %add3A_48 = arith.constant 0x4B4051E1 : f32
    %add3A_49 = vector.broadcast %add3A_48 : f32 to vector<16xf32>
    %add3A_50 = arith.addf %mul3A_17, %add3A_49 : vector<16xf32>
    %add3A_51 = arith.constant 0x4B405A11 : f32
    %add3A_52 = vector.broadcast %add3A_51 : f32 to vector<16xf32>
    %add3A_53 = arith.addf %mul3A_17, %add3A_52 : vector<16xf32>
    %add3A_54 = arith.constant 0x4B406241 : f32
    %add3A_55 = vector.broadcast %add3A_54 : f32 to vector<16xf32>
    %add3A_56 = arith.addf %mul3A_17, %add3A_55 : vector<16xf32>
    %add3A_57 = arith.constant 0x4B406A71 : f32
    %add3A_58 = vector.broadcast %add3A_57 : f32 to vector<16xf32>
    %add3A_59 = arith.addf %mul3A_17, %add3A_58 : vector<16xf32>
    %add3A_60 = arith.constant 0x4B4072A1 : f32
    %add3A_61 = vector.broadcast %add3A_60 : f32 to vector<16xf32>
    %add3A_62 = arith.addf %mul3A_17, %add3A_61 : vector<16xf32>
    %add3A_63 = arith.constant 0x4B407AD1 : f32
    %add3A_64 = vector.broadcast %add3A_63 : f32 to vector<16xf32>
    %add3A_65 = arith.addf %mul3A_17, %add3A_64 : vector<16xf32>
    %add3A_66 = arith.constant 0 : i32
    %add3A_67 = arith.addi %mul3A_2, %add3A_66 : i32
    %dma_start3A = arith.constant 0 : i32
    %dma_start3A_68 = tpu.memref_slice %arg2[%add3A_67, %dma_start3A] : memref<4096x4096xf32, #tpu.memory_space<hbm>> -> memref<8x4096xf32, #tpu.memory_space<hbm>>
    %dma_start3A_69 = arith.constant 0 : i32
    %dma_start3A_70 = tpu.memref_slice %arg2[%add3A_67, %dma_start3A_69] : memref<4096x4096xf32, #tpu.memory_space<hbm>> -> memref<8x4096xf32, #tpu.memory_space<hbm>>
    tpu.enqueue_dma source(%dma_start3A_70 : memref<8x4096xf32, #tpu.memory_space<hbm>>) target(%arg5 : memref<8x4096xf32, #tpu.memory_space<vmem>>) target_semaphore(%arg10 : memref<!tpu.dma_semaphore, #tpu.memory_space<semaphore_mem>>)
    %add3A_71 = arith.constant 8 : i32
    %add3A_72 = arith.addi %mul3A_2, %add3A_71 : i32
    %dma_start3A_73 = arith.constant 0 : i32
    %dma_start3A_74 = tpu.memref_slice %arg2[%add3A_72, %dma_start3A_73] : memref<4096x4096xf32, #tpu.memory_space<hbm>> -> memref<8x4096xf32, #tpu.memory_space<hbm>>
    %dma_start3A_75 = arith.constant 0 : i32
    %dma_start3A_76 = tpu.memref_slice %arg2[%add3A_72, %dma_start3A_75] : memref<4096x4096xf32, #tpu.memory_space<hbm>> -> memref<8x4096xf32, #tpu.memory_space<hbm>>
    tpu.enqueue_dma source(%dma_start3A_76 : memref<8x4096xf32, #tpu.memory_space<hbm>>) target(%arg6 : memref<8x4096xf32, #tpu.memory_space<vmem>>) target_semaphore(%arg11 : memref<!tpu.dma_semaphore, #tpu.memory_space<semaphore_mem>>)
    %scan3A_77 = arith.constant 0 : i32
    %scan3A_78 = arith.constant -1262485504 : i32
    %scan3A_79 = arith.constant 0 : i32
    %scan3A_80 = arith.constant 8 : i32
    %scan3A_81 = arith.addi %scan3A_79, %scan3A_80 : i32
    %scan3A_82 = arith.constant 1 : i32
    scf.for %scan3A_123 = %scan3A_79 to %scan3A_81 step %scan3A_82  : i32 {
      %dma_wait3A = arith.constant 0 : i32
      %dma_wait3A_124 = tpu.memref_slice %arg2[%mul3A_2, %dma_wait3A] : memref<4096x4096xf32, #tpu.memory_space<hbm>> -> memref<8x4096xf32, #tpu.memory_space<hbm>>
      %dma_wait3A_125 = arith.constant 0 : i32
      %dma_wait3A_126 = tpu.memref_slice %arg2[%mul3A_2, %dma_wait3A_125] : memref<4096x4096xf32, #tpu.memory_space<hbm>> -> memref<8x4096xf32, #tpu.memory_space<hbm>>
      tpu.wait_dma2 semaphore(%arg10 : memref<!tpu.dma_semaphore, #tpu.memory_space<semaphore_mem>>) src(%dma_wait3A_126 : memref<8x4096xf32, #tpu.memory_space<hbm>>) dst(%arg5 : memref<8x4096xf32, #tpu.memory_space<vmem>>)
      %parallel_loop3A = arith.constant 0 : i32
      %parallel_loop3A_127 = arith.constant 128 : i32
      %parallel_loop3A_128 = arith.constant 1 : i32
      scf.for %parallel_loop3A_144 = %parallel_loop3A to %parallel_loop3A_127 step %parallel_loop3A_128  : i32 {
        %parallel_loop3A_145 = arith.constant 4 : i32
        %parallel_loop3A_146 = arith.shrui %parallel_loop3A_144, %parallel_loop3A_145 : i32
        %parallel_loop3A_147 = arith.constant 15 : i32
        %parallel_loop3A_148 = arith.andi %parallel_loop3A_144, %parallel_loop3A_147 : i32
        %parallel_loop3A_149 = arith.constant 256 : i32
        %parallel_loop3A_150 = arith.muli %parallel_loop3A_148, %parallel_loop3A_149 : i32
        %parallel_loop3A_151 = arith.constant 0 : i32
        %parallel_loop3A_152 = arith.addi %parallel_loop3A_150, %parallel_loop3A_151 : i32
        %parallel_loop3A_153 = arith.index_cast %parallel_loop3A_146 : i32 to index
        %parallel_loop3A_154 = arith.index_cast %parallel_loop3A_152 : i32 to index
        %parallel_loop3A_155 = tpu.vector_load %arg5[%parallel_loop3A_153, %parallel_loop3A_154] {strides = array<i32>} : memref<8x4096xf32, #tpu.memory_space<vmem>>, vector<16xf32>,
        %parallel_loop3A_156 = arith.constant 16 : i32
        %parallel_loop3A_157 = arith.addi %parallel_loop3A_150, %parallel_loop3A_156 : i32
        %parallel_loop3A_158 = arith.index_cast %parallel_loop3A_146 : i32 to index
        %parallel_loop3A_159 = arith.index_cast %parallel_loop3A_157 : i32 to index
        %parallel_loop3A_160 = tpu.vector_load %arg5[%parallel_loop3A_158, %parallel_loop3A_159] {strides = array<i32>} : memref<8x4096xf32, #tpu.memory_space<vmem>>, vector<16xf32>,
        %parallel_loop3A_161 = arith.constant 32 : i32
        %parallel_loop3A_162 = arith.addi %parallel_loop3A_150, %parallel_loop3A_161 : i32
        %parallel_loop3A_163 = arith.index_cast %parallel_loop3A_146 : i32 to index
        %parallel_loop3A_164 = arith.index_cast %parallel_loop3A_162 : i32 to index
        %parallel_loop3A_165 = tpu.vector_load %arg5[%parallel_loop3A_163, %parallel_loop3A_164] {strides = array<i32>} : memref<8x4096xf32, #tpu.memory_space<vmem>>, vector<16xf32>,
        %parallel_loop3A_166 = arith.constant 48 : i32
        %parallel_loop3A_167 = arith.addi %parallel_loop3A_150, %parallel_loop3A_166 : i32
        %parallel_loop3A_168 = arith.index_cast %parallel_loop3A_146 : i32 to index
        %parallel_loop3A_169 = arith.index_cast %parallel_loop3A_167 : i32 to index
        %parallel_loop3A_170 = tpu.vector_load %arg5[%parallel_loop3A_168, %parallel_loop3A_169] {strides = array<i32>} : memref<8x4096xf32, #tpu.memory_space<vmem>>, vector<16xf32>,
        %parallel_loop3A_171 = arith.constant 64 : i32
        %parallel_loop3A_172 = arith.addi %parallel_loop3A_150, %parallel_loop3A_171 : i32
        %parallel_loop3A_173 = arith.index_cast %parallel_loop3A_146 : i32 to index
        %parallel_loop3A_174 = arith.index_cast %parallel_loop3A_172 : i32 to index
        %parallel_loop3A_175 = tpu.vector_load %arg5[%parallel_loop3A_173, %parallel_loop3A_174] {strides = array<i32>} : memref<8x4096xf32, #tpu.memory_space<vmem>>, vector<16xf32>,
        %parallel_loop3A_176 = arith.constant 80 : i32
        %parallel_loop3A_177 = arith.addi %parallel_loop3A_150, %parallel_loop3A_176 : i32
        %parallel_loop3A_178 = arith.index_cast %parallel_loop3A_146 : i32 to index
        %parallel_loop3A_179 = arith.index_cast %parallel_loop3A_177 : i32 to index
        %parallel_loop3A_180 = tpu.vector_load %arg5[%parallel_loop3A_178, %parallel_loop3A_179] {strides = array<i32>} : memref<8x4096xf32, #tpu.memory_space<vmem>>, vector<16xf32>,
        %parallel_loop3A_181 = arith.constant 96 : i32
        %parallel_loop3A_182 = arith.addi %parallel_loop3A_150, %parallel_loop3A_181 : i32
        %parallel_loop3A_183 = arith.index_cast %parallel_loop3A_146 : i32 to index
        %parallel_loop3A_184 = arith.index_cast %parallel_loop3A_182 : i32 to index
        %parallel_loop3A_185 = tpu.vector_load %arg5[%parallel_loop3A_183, %parallel_loop3A_184] {strides = array<i32>} : memref<8x4096xf32, #tpu.memory_space<vmem>>, vector<16xf32>,
        %parallel_loop3A_186 = arith.constant 112 : i32
        %parallel_loop3A_187 = arith.addi %parallel_loop3A_150, %parallel_loop3A_186 : i32
        %parallel_loop3A_188 = arith.index_cast %parallel_loop3A_146 : i32 to index
        %parallel_loop3A_189 = arith.index_cast %parallel_loop3A_187 : i32 to index
        %parallel_loop3A_190 = tpu.vector_load %arg5[%parallel_loop3A_188, %parallel_loop3A_189] {strides = array<i32>} : memref<8x4096xf32, #tpu.memory_space<vmem>>, vector<16xf32>,
        %parallel_loop3A_191 = arith.constant 128 : i32
        %parallel_loop3A_192 = arith.addi %parallel_loop3A_150, %parallel_loop3A_191 : i32
        %parallel_loop3A_193 = arith.index_cast %parallel_loop3A_146 : i32 to index
        %parallel_loop3A_194 = arith.index_cast %parallel_loop3A_192 : i32 to index
        %parallel_loop3A_195 = tpu.vector_load %arg5[%parallel_loop3A_193, %parallel_loop3A_194] {strides = array<i32>} : memref<8x4096xf32, #tpu.memory_space<vmem>>, vector<16xf32>,
        %parallel_loop3A_196 = arith.constant 144 : i32
        %parallel_loop3A_197 = arith.addi %parallel_loop3A_150, %parallel_loop3A_196 : i32
        %parallel_loop3A_198 = arith.index_cast %parallel_loop3A_146 : i32 to index
        %parallel_loop3A_199 = arith.index_cast %parallel_loop3A_197 : i32 to index
        %parallel_loop3A_200 = tpu.vector_load %arg5[%parallel_loop3A_198, %parallel_loop3A_199] {strides = array<i32>} : memref<8x4096xf32, #tpu.memory_space<vmem>>, vector<16xf32>,
        %parallel_loop3A_201 = arith.constant 160 : i32
        %parallel_loop3A_202 = arith.addi %parallel_loop3A_150, %parallel_loop3A_201 : i32
        %parallel_loop3A_203 = arith.index_cast %parallel_loop3A_146 : i32 to index
        %parallel_loop3A_204 = arith.index_cast %parallel_loop3A_202 : i32 to index
        %parallel_loop3A_205 = tpu.vector_load %arg5[%parallel_loop3A_203, %parallel_loop3A_204] {strides = array<i32>} : memref<8x4096xf32, #tpu.memory_space<vmem>>, vector<16xf32>,
        %parallel_loop3A_206 = arith.constant 176 : i32
        %parallel_loop3A_207 = arith.addi %parallel_loop3A_150, %parallel_loop3A_206 : i32
        %parallel_loop3A_208 = arith.index_cast %parallel_loop3A_146 : i32 to index
        %parallel_loop3A_209 = arith.index_cast %parallel_loop3A_207 : i32 to index
        %parallel_loop3A_210 = tpu.vector_load %arg5[%parallel_loop3A_208, %parallel_loop3A_209] {strides = array<i32>} : memref<8x4096xf32, #tpu.memory_space<vmem>>, vector<16xf32>,
        %parallel_loop3A_211 = arith.constant 192 : i32
        %parallel_loop3A_212 = arith.addi %parallel_loop3A_150, %parallel_loop3A_211 : i32
        %parallel_loop3A_213 = arith.index_cast %parallel_loop3A_146 : i32 to index
        %parallel_loop3A_214 = arith.index_cast %parallel_loop3A_212 : i32 to index
        %parallel_loop3A_215 = tpu.vector_load %arg5[%parallel_loop3A_213, %parallel_loop3A_214] {strides = array<i32>} : memref<8x4096xf32, #tpu.memory_space<vmem>>, vector<16xf32>,
        %parallel_loop3A_216 = arith.constant 208 : i32
        %parallel_loop3A_217 = arith.addi %parallel_loop3A_150, %parallel_loop3A_216 : i32
        %parallel_loop3A_218 = arith.index_cast %parallel_loop3A_146 : i32 to index
        %parallel_loop3A_219 = arith.index_cast %parallel_loop3A_217 : i32 to index
        %parallel_loop3A_220 = tpu.vector_load %arg5[%parallel_loop3A_218, %parallel_loop3A_219] {strides = array<i32>} : memref<8x4096xf32, #tpu.memory_space<vmem>>, vector<16xf32>,
        %parallel_loop3A_221 = arith.constant 224 : i32
        %parallel_loop3A_222 = arith.addi %parallel_loop3A_150, %parallel_loop3A_221 : i32
        %parallel_loop3A_223 = arith.index_cast %parallel_loop3A_146 : i32 to index
        %parallel_loop3A_224 = arith.index_cast %parallel_loop3A_222 : i32 to index
        %parallel_loop3A_225 = tpu.vector_load %arg5[%parallel_loop3A_223, %parallel_loop3A_224] {strides = array<i32>} : memref<8x4096xf32, #tpu.memory_space<vmem>>, vector<16xf32>,
        %parallel_loop3A_226 = arith.constant 240 : i32
        %parallel_loop3A_227 = arith.addi %parallel_loop3A_150, %parallel_loop3A_226 : i32
        %parallel_loop3A_228 = arith.index_cast %parallel_loop3A_146 : i32 to index
        %parallel_loop3A_229 = arith.index_cast %parallel_loop3A_227 : i32 to index
        %parallel_loop3A_230 = tpu.vector_load %arg5[%parallel_loop3A_228, %parallel_loop3A_229] {strides = array<i32>} : memref<8x4096xf32, #tpu.memory_space<vmem>>, vector<16xf32>,
        %parallel_loop3A_231 = vector.broadcast %squeeze3A_5 : f32 to vector<16xf32>
        %parallel_loop3A_232 = arith.mulf %parallel_loop3A_155, %parallel_loop3A_231 : vector<16xf32>
        %parallel_loop3A_233 = vector.broadcast %add3A_8 : f32 to vector<16xf32>
        %parallel_loop3A_234 = arith.subf %parallel_loop3A_232, %parallel_loop3A_233 : vector<16xf32>
        %parallel_loop3A_235 = arith.addf %parallel_loop3A_234, %add3A_20 : vector<16xf32>
        %parallel_loop3A_236 = vector.bitcast %parallel_loop3A_235 : vector<16xf32> to vector<16xi32>
        %parallel_loop3A_237 = vector.broadcast %scan3A_78 : i32 to vector<16xi32>
        %parallel_loop3A_238 = arith.addi %parallel_loop3A_236, %parallel_loop3A_237 : vector<16xi32>
        tpu.vector_store_idx %arg7[%parallel_loop3A_238], %parallel_loop3A_155 {add = true} : memref<33536xf32, #tpu.memory_space<vmem>>[vector<16xi32>], vector<16xf32>,
        %parallel_loop3A_239 = vector.broadcast %squeeze3A_5 : f32 to vector<16xf32>
        %parallel_loop3A_240 = arith.mulf %parallel_loop3A_160, %parallel_loop3A_239 : vector<16xf32>
        %parallel_loop3A_241 = vector.broadcast %add3A_8 : f32 to vector<16xf32>
        %parallel_loop3A_242 = arith.subf %parallel_loop3A_240, %parallel_loop3A_241 : vector<16xf32>
        %parallel_loop3A_243 = arith.addf %parallel_loop3A_242, %add3A_23 : vector<16xf32>
        %parallel_loop3A_244 = vector.bitcast %parallel_loop3A_243 : vector<16xf32> to vector<16xi32>
        %parallel_loop3A_245 = vector.broadcast %scan3A_78 : i32 to vector<16xi32>
        %parallel_loop3A_246 = arith.addi %parallel_loop3A_244, %parallel_loop3A_245 : vector<16xi32>
        tpu.vector_store_idx %arg7[%parallel_loop3A_246], %parallel_loop3A_160 {add = true} : memref<33536xf32, #tpu.memory_space<vmem>>[vector<16xi32>], vector<16xf32>,
        %parallel_loop3A_247 = vector.broadcast %squeeze3A_5 : f32 to vector<16xf32>
        %parallel_loop3A_248 = arith.mulf %parallel_loop3A_165, %parallel_loop3A_247 : vector<16xf32>
        %parallel_loop3A_249 = vector.broadcast %add3A_8 : f32 to vector<16xf32>
        %parallel_loop3A_250 = arith.subf %parallel_loop3A_248, %parallel_loop3A_249 : vector<16xf32>
        %parallel_loop3A_251 = arith.addf %parallel_loop3A_250, %add3A_26 : vector<16xf32>
        %parallel_loop3A_252 = vector.bitcast %parallel_loop3A_251 : vector<16xf32> to vector<16xi32>
        %parallel_loop3A_253 = vector.broadcast %scan3A_78 : i32 to vector<16xi32>
        %parallel_loop3A_254 = arith.addi %parallel_loop3A_252, %parallel_loop3A_253 : vector<16xi32>
        tpu.vector_store_idx %arg7[%parallel_loop3A_254], %parallel_loop3A_165 {add = true} : memref<33536xf32, #tpu.memory_space<vmem>>[vector<16xi32>], vector<16xf32>,
        %parallel_loop3A_255 = vector.broadcast %squeeze3A_5 : f32 to vector<16xf32>
        %parallel_loop3A_256 = arith.mulf %parallel_loop3A_170, %parallel_loop3A_255 : vector<16xf32>
        %parallel_loop3A_257 = vector.broadcast %add3A_8 : f32 to vector<16xf32>
        %parallel_loop3A_258 = arith.subf %parallel_loop3A_256, %parallel_loop3A_257 : vector<16xf32>
        %parallel_loop3A_259 = arith.addf %parallel_loop3A_258, %add3A_29 : vector<16xf32>
        %parallel_loop3A_260 = vector.bitcast %parallel_loop3A_259 : vector<16xf32> to vector<16xi32>
        %parallel_loop3A_261 = vector.broadcast %scan3A_78 : i32 to vector<16xi32>
        %parallel_loop3A_262 = arith.addi %parallel_loop3A_260, %parallel_loop3A_261 : vector<16xi32>
        tpu.vector_store_idx %arg7[%parallel_loop3A_262], %parallel_loop3A_170 {add = true} : memref<33536xf32, #tpu.memory_space<vmem>>[vector<16xi32>], vector<16xf32>,
        %parallel_loop3A_263 = vector.broadcast %squeeze3A_5 : f32 to vector<16xf32>
        %parallel_loop3A_264 = arith.mulf %parallel_loop3A_175, %parallel_loop3A_263 : vector<16xf32>
        %parallel_loop3A_265 = vector.broadcast %add3A_8 : f32 to vector<16xf32>
        %parallel_loop3A_266 = arith.subf %parallel_loop3A_264, %parallel_loop3A_265 : vector<16xf32>
        %parallel_loop3A_267 = arith.addf %parallel_loop3A_266, %add3A_32 : vector<16xf32>
        %parallel_loop3A_268 = vector.bitcast %parallel_loop3A_267 : vector<16xf32> to vector<16xi32>
        %parallel_loop3A_269 = vector.broadcast %scan3A_78 : i32 to vector<16xi32>
        %parallel_loop3A_270 = arith.addi %parallel_loop3A_268, %parallel_loop3A_269 : vector<16xi32>
        tpu.vector_store_idx %arg7[%parallel_loop3A_270], %parallel_loop3A_175 {add = true} : memref<33536xf32, #tpu.memory_space<vmem>>[vector<16xi32>], vector<16xf32>,
        %parallel_loop3A_271 = vector.broadcast %squeeze3A_5 : f32 to vector<16xf32>
        %parallel_loop3A_272 = arith.mulf %parallel_loop3A_180, %parallel_loop3A_271 : vector<16xf32>
        %parallel_loop3A_273 = vector.broadcast %add3A_8 : f32 to vector<16xf32>
        %parallel_loop3A_274 = arith.subf %parallel_loop3A_272, %parallel_loop3A_273 : vector<16xf32>
        %parallel_loop3A_275 = arith.addf %parallel_loop3A_274, %add3A_35 : vector<16xf32>
        %parallel_loop3A_276 = vector.bitcast %parallel_loop3A_275 : vector<16xf32> to vector<16xi32>
        %parallel_loop3A_277 = vector.broadcast %scan3A_78 : i32 to vector<16xi32>
        %parallel_loop3A_278 = arith.addi %parallel_loop3A_276, %parallel_loop3A_277 : vector<16xi32>
        tpu.vector_store_idx %arg7[%parallel_loop3A_278], %parallel_loop3A_180 {add = true} : memref<33536xf32, #tpu.memory_space<vmem>>[vector<16xi32>], vector<16xf32>,
        %parallel_loop3A_279 = vector.broadcast %squeeze3A_5 : f32 to vector<16xf32>
        %parallel_loop3A_280 = arith.mulf %parallel_loop3A_185, %parallel_loop3A_279 : vector<16xf32>
        %parallel_loop3A_281 = vector.broadcast %add3A_8 : f32 to vector<16xf32>
        %parallel_loop3A_282 = arith.subf %parallel_loop3A_280, %parallel_loop3A_281 : vector<16xf32>
        %parallel_loop3A_283 = arith.addf %parallel_loop3A_282, %add3A_38 : vector<16xf32>
        %parallel_loop3A_284 = vector.bitcast %parallel_loop3A_283 : vector<16xf32> to vector<16xi32>
        %parallel_loop3A_285 = vector.broadcast %scan3A_78 : i32 to vector<16xi32>
        %parallel_loop3A_286 = arith.addi %parallel_loop3A_284, %parallel_loop3A_285 : vector<16xi32>
        tpu.vector_store_idx %arg7[%parallel_loop3A_286], %parallel_loop3A_185 {add = true} : memref<33536xf32, #tpu.memory_space<vmem>>[vector<16xi32>], vector<16xf32>,
        %parallel_loop3A_287 = vector.broadcast %squeeze3A_5 : f32 to vector<16xf32>
        %parallel_loop3A_288 = arith.mulf %parallel_loop3A_190, %parallel_loop3A_287 : vector<16xf32>
        %parallel_loop3A_289 = vector.broadcast %add3A_8 : f32 to vector<16xf32>
        %parallel_loop3A_290 = arith.subf %parallel_loop3A_288, %parallel_loop3A_289 : vector<16xf32>
        %parallel_loop3A_291 = arith.addf %parallel_loop3A_290, %add3A_41 : vector<16xf32>
        %parallel_loop3A_292 = vector.bitcast %parallel_loop3A_291 : vector<16xf32> to vector<16xi32>
        %parallel_loop3A_293 = vector.broadcast %scan3A_78 : i32 to vector<16xi32>
        %parallel_loop3A_294 = arith.addi %parallel_loop3A_292, %parallel_loop3A_293 : vector<16xi32>
        tpu.vector_store_idx %arg7[%parallel_loop3A_294], %parallel_loop3A_190 {add = true} : memref<33536xf32, #tpu.memory_space<vmem>>[vector<16xi32>], vector<16xf32>,
        %parallel_loop3A_295 = vector.broadcast %squeeze3A_5 : f32 to vector<16xf32>
        %parallel_loop3A_296 = arith.mulf %parallel_loop3A_195, %parallel_loop3A_295 : vector<16xf32>
        %parallel_loop3A_297 = vector.broadcast %add3A_8 : f32 to vector<16xf32>
        %parallel_loop3A_298 = arith.subf %parallel_loop3A_296, %parallel_loop3A_297 : vector<16xf32>
        %parallel_loop3A_299 = arith.addf %parallel_loop3A_298, %add3A_44 : vector<16xf32>
        %parallel_loop3A_300 = vector.bitcast %parallel_loop3A_299 : vector<16xf32> to vector<16xi32>
        %parallel_loop3A_301 = vector.broadcast %scan3A_78 : i32 to vector<16xi32>
        %parallel_loop3A_302 = arith.addi %parallel_loop3A_300, %parallel_loop3A_301 : vector<16xi32>
        tpu.vector_store_idx %arg7[%parallel_loop3A_302], %parallel_loop3A_195 {add = true} : memref<33536xf32, #tpu.memory_space<vmem>>[vector<16xi32>], vector<16xf32>,
        %parallel_loop3A_303 = vector.broadcast %squeeze3A_5 : f32 to vector<16xf32>
        %parallel_loop3A_304 = arith.mulf %parallel_loop3A_200, %parallel_loop3A_303 : vector<16xf32>
        %parallel_loop3A_305 = vector.broadcast %add3A_8 : f32 to vector<16xf32>
        %parallel_loop3A_306 = arith.subf %parallel_loop3A_304, %parallel_loop3A_305 : vector<16xf32>
        %parallel_loop3A_307 = arith.addf %parallel_loop3A_306, %add3A_47 : vector<16xf32>
        %parallel_loop3A_308 = vector.bitcast %parallel_loop3A_307 : vector<16xf32> to vector<16xi32>
        %parallel_loop3A_309 = vector.broadcast %scan3A_78 : i32 to vector<16xi32>
        %parallel_loop3A_310 = arith.addi %parallel_loop3A_308, %parallel_loop3A_309 : vector<16xi32>
        tpu.vector_store_idx %arg7[%parallel_loop3A_310], %parallel_loop3A_200 {add = true} : memref<33536xf32, #tpu.memory_space<vmem>>[vector<16xi32>], vector<16xf32>,
        %parallel_loop3A_311 = vector.broadcast %squeeze3A_5 : f32 to vector<16xf32>
        %parallel_loop3A_312 = arith.mulf %parallel_loop3A_205, %parallel_loop3A_311 : vector<16xf32>
        %parallel_loop3A_313 = vector.broadcast %add3A_8 : f32 to vector<16xf32>
        %parallel_loop3A_314 = arith.subf %parallel_loop3A_312, %parallel_loop3A_313 : vector<16xf32>
        %parallel_loop3A_315 = arith.addf %parallel_loop3A_314, %add3A_50 : vector<16xf32>
        %parallel_loop3A_316 = vector.bitcast %parallel_loop3A_315 : vector<16xf32> to vector<16xi32>
        %parallel_loop3A_317 = vector.broadcast %scan3A_78 : i32 to vector<16xi32>
        %parallel_loop3A_318 = arith.addi %parallel_loop3A_316, %parallel_loop3A_317 : vector<16xi32>
        tpu.vector_store_idx %arg7[%parallel_loop3A_318], %parallel_loop3A_205 {add = true} : memref<33536xf32, #tpu.memory_space<vmem>>[vector<16xi32>], vector<16xf32>,
        %parallel_loop3A_319 = vector.broadcast %squeeze3A_5 : f32 to vector<16xf32>
        %parallel_loop3A_320 = arith.mulf %parallel_loop3A_210, %parallel_loop3A_319 : vector<16xf32>
        %parallel_loop3A_321 = vector.broadcast %add3A_8 : f32 to vector<16xf32>
        %parallel_loop3A_322 = arith.subf %parallel_loop3A_320, %parallel_loop3A_321 : vector<16xf32>
        %parallel_loop3A_323 = arith.addf %parallel_loop3A_322, %add3A_53 : vector<16xf32>
        %parallel_loop3A_324 = vector.bitcast %parallel_loop3A_323 : vector<16xf32> to vector<16xi32>
        %parallel_loop3A_325 = vector.broadcast %scan3A_78 : i32 to vector<16xi32>
        %parallel_loop3A_326 = arith.addi %parallel_loop3A_324, %parallel_loop3A_325 : vector<16xi32>
        tpu.vector_store_idx %arg7[%parallel_loop3A_326], %parallel_loop3A_210 {add = true} : memref<33536xf32, #tpu.memory_space<vmem>>[vector<16xi32>], vector<16xf32>,
        %parallel_loop3A_327 = vector.broadcast %squeeze3A_5 : f32 to vector<16xf32>
        %parallel_loop3A_328 = arith.mulf %parallel_loop3A_215, %parallel_loop3A_327 : vector<16xf32>
        %parallel_loop3A_329 = vector.broadcast %add3A_8 : f32 to vector<16xf32>
        %parallel_loop3A_330 = arith.subf %parallel_loop3A_328, %parallel_loop3A_329 : vector<16xf32>
        %parallel_loop3A_331 = arith.addf %parallel_loop3A_330, %add3A_56 : vector<16xf32>
        %parallel_loop3A_332 = vector.bitcast %parallel_loop3A_331 : vector<16xf32> to vector<16xi32>
        %parallel_loop3A_333 = vector.broadcast %scan3A_78 : i32 to vector<16xi32>
        %parallel_loop3A_334 = arith.addi %parallel_loop3A_332, %parallel_loop3A_333 : vector<16xi32>
        tpu.vector_store_idx %arg7[%parallel_loop3A_334], %parallel_loop3A_215 {add = true} : memref<33536xf32, #tpu.memory_space<vmem>>[vector<16xi32>], vector<16xf32>,
        %parallel_loop3A_335 = vector.broadcast %squeeze3A_5 : f32 to vector<16xf32>
        %parallel_loop3A_336 = arith.mulf %parallel_loop3A_220, %parallel_loop3A_335 : vector<16xf32>
        %parallel_loop3A_337 = vector.broadcast %add3A_8 : f32 to vector<16xf32>
        %parallel_loop3A_338 = arith.subf %parallel_loop3A_336, %parallel_loop3A_337 : vector<16xf32>
        %parallel_loop3A_339 = arith.addf %parallel_loop3A_338, %add3A_59 : vector<16xf32>
        %parallel_loop3A_340 = vector.bitcast %parallel_loop3A_339 : vector<16xf32> to vector<16xi32>
        %parallel_loop3A_341 = vector.broadcast %scan3A_78 : i32 to vector<16xi32>
        %parallel_loop3A_342 = arith.addi %parallel_loop3A_340, %parallel_loop3A_341 : vector<16xi32>
        tpu.vector_store_idx %arg7[%parallel_loop3A_342], %parallel_loop3A_220 {add = true} : memref<33536xf32, #tpu.memory_space<vmem>>[vector<16xi32>], vector<16xf32>,
        %parallel_loop3A_343 = vector.broadcast %squeeze3A_5 : f32 to vector<16xf32>
        %parallel_loop3A_344 = arith.mulf %parallel_loop3A_225, %parallel_loop3A_343 : vector<16xf32>
        %parallel_loop3A_345 = vector.broadcast %add3A_8 : f32 to vector<16xf32>
        %parallel_loop3A_346 = arith.subf %parallel_loop3A_344, %parallel_loop3A_345 : vector<16xf32>
        %parallel_loop3A_347 = arith.addf %parallel_loop3A_346, %add3A_62 : vector<16xf32>
        %parallel_loop3A_348 = vector.bitcast %parallel_loop3A_347 : vector<16xf32> to vector<16xi32>
        %parallel_loop3A_349 = vector.broadcast %scan3A_78 : i32 to vector<16xi32>
        %parallel_loop3A_350 = arith.addi %parallel_loop3A_348, %parallel_loop3A_349 : vector<16xi32>
        tpu.vector_store_idx %arg7[%parallel_loop3A_350], %parallel_loop3A_225 {add = true} : memref<33536xf32, #tpu.memory_space<vmem>>[vector<16xi32>], vector<16xf32>,
        %parallel_loop3A_351 = vector.broadcast %squeeze3A_5 : f32 to vector<16xf32>
        %parallel_loop3A_352 = arith.mulf %parallel_loop3A_230, %parallel_loop3A_351 : vector<16xf32>
        %parallel_loop3A_353 = vector.broadcast %add3A_8 : f32 to vector<16xf32>
        %parallel_loop3A_354 = arith.subf %parallel_loop3A_352, %parallel_loop3A_353 : vector<16xf32>
        %parallel_loop3A_355 = arith.addf %parallel_loop3A_354, %add3A_65 : vector<16xf32>
        %parallel_loop3A_356 = vector.bitcast %parallel_loop3A_355 : vector<16xf32> to vector<16xi32>
        %parallel_loop3A_357 = vector.broadcast %scan3A_78 : i32 to vector<16xi32>
        %parallel_loop3A_358 = arith.addi %parallel_loop3A_356, %parallel_loop3A_357 : vector<16xi32>
        tpu.vector_store_idx %arg7[%parallel_loop3A_358], %parallel_loop3A_230 {add = true} : memref<33536xf32, #tpu.memory_space<vmem>>[vector<16xi32>], vector<16xf32>,
      } {sc.loop_unroll_factor = 1 : i64, sc.parallel_access}
      %lt3A = arith.constant 7 : i32
      %lt3A_129 = arith.cmpi slt, %scan3A_123, %lt3A : i32
      %convert_element_type3A_130 = arith.extui %lt3A_129 : i1 to i32
      %cond3A = arith.constant 0 : i32
      %cond3A_131 = arith.cmpi ne, %convert_element_type3A_130, %cond3A : i32
      scf.if %cond3A_131 {
        %mul3A_144 = arith.constant 2 : i32
        %mul3A_145 = arith.muli %mul3A_144, %scan3A_123 : i32
        %add3A_146 = arith.constant 2 : i32
        %add3A_147 = arith.addi %mul3A_145, %add3A_146 : i32
        %mul3A_148 = arith.constant 8 : i32
        %mul3A_149 = arith.muli %add3A_147, %mul3A_148 : i32
        %add3A_150 = arith.addi %mul3A_2, %mul3A_149 : i32
        %dma_start3A_151 = arith.constant 0 : i32
        %dma_start3A_152 = tpu.memref_slice %arg2[%add3A_150, %dma_start3A_151] : memref<4096x4096xf32, #tpu.memory_space<hbm>> -> memref<8x4096xf32, #tpu.memory_space<hbm>>
        %dma_start3A_153 = arith.constant 0 : i32
        %dma_start3A_154 = tpu.memref_slice %arg2[%add3A_150, %dma_start3A_153] : memref<4096x4096xf32, #tpu.memory_space<hbm>> -> memref<8x4096xf32, #tpu.memory_space<hbm>>
        tpu.enqueue_dma source(%dma_start3A_154 : memref<8x4096xf32, #tpu.memory_space<hbm>>) target(%arg5 : memref<8x4096xf32, #tpu.memory_space<vmem>>) target_semaphore(%arg10 : memref<!tpu.dma_semaphore, #tpu.memory_space<semaphore_mem>>)
      } else {
      }
      %dma_wait3A_132 = arith.constant 0 : i32
      %dma_wait3A_133 = tpu.memref_slice %arg2[%mul3A_2, %dma_wait3A_132] : memref<4096x4096xf32, #tpu.memory_space<hbm>> -> memref<8x4096xf32, #tpu.memory_space<hbm>>
      %dma_wait3A_134 = arith.constant 0 : i32
      %dma_wait3A_135 = tpu.memref_slice %arg2[%mul3A_2, %dma_wait3A_134] : memref<4096x4096xf32, #tpu.memory_space<hbm>> -> memref<8x4096xf32, #tpu.memory_space<hbm>>
      tpu.wait_dma2 semaphore(%arg11 : memref<!tpu.dma_semaphore, #tpu.memory_space<semaphore_mem>>) src(%dma_wait3A_135 : memref<8x4096xf32, #tpu.memory_space<hbm>>) dst(%arg6 : memref<8x4096xf32, #tpu.memory_space<vmem>>)
      %parallel_loop3A_136 = arith.constant 0 : i32
      %parallel_loop3A_137 = arith.constant 128 : i32
      %parallel_loop3A_138 = arith.constant 1 : i32
      scf.for %parallel_loop3A_144 = %parallel_loop3A_136 to %parallel_loop3A_137 step %parallel_loop3A_138  : i32 {
        %parallel_loop3A_145 = arith.constant 4 : i32
        %parallel_loop3A_146 = arith.shrui %parallel_loop3A_144, %parallel_loop3A_145 : i32
        %parallel_loop3A_147 = arith.constant 15 : i32
        %parallel_loop3A_148 = arith.andi %parallel_loop3A_144, %parallel_loop3A_147 : i32
        %parallel_loop3A_149 = arith.constant 256 : i32
        %parallel_loop3A_150 = arith.muli %parallel_loop3A_148, %parallel_loop3A_149 : i32
        %parallel_loop3A_151 = arith.constant 0 : i32
        %parallel_loop3A_152 = arith.addi %parallel_loop3A_150, %parallel_loop3A_151 : i32
        %parallel_loop3A_153 = arith.index_cast %parallel_loop3A_146 : i32 to index
        %parallel_loop3A_154 = arith.index_cast %parallel_loop3A_152 : i32 to index
        %parallel_loop3A_155 = tpu.vector_load %arg6[%parallel_loop3A_153, %parallel_loop3A_154] {strides = array<i32>} : memref<8x4096xf32, #tpu.memory_space<vmem>>, vector<16xf32>,
        %parallel_loop3A_156 = arith.constant 16 : i32
        %parallel_loop3A_157 = arith.addi %parallel_loop3A_150, %parallel_loop3A_156 : i32
        %parallel_loop3A_158 = arith.index_cast %parallel_loop3A_146 : i32 to index
        %parallel_loop3A_159 = arith.index_cast %parallel_loop3A_157 : i32 to index
        %parallel_loop3A_160 = tpu.vector_load %arg6[%parallel_loop3A_158, %parallel_loop3A_159] {strides = array<i32>} : memref<8x4096xf32, #tpu.memory_space<vmem>>, vector<16xf32>,
        %parallel_loop3A_161 = arith.constant 32 : i32
        %parallel_loop3A_162 = arith.addi %parallel_loop3A_150, %parallel_loop3A_161 : i32
        %parallel_loop3A_163 = arith.index_cast %parallel_loop3A_146 : i32 to index
        %parallel_loop3A_164 = arith.index_cast %parallel_loop3A_162 : i32 to index
        %parallel_loop3A_165 = tpu.vector_load %arg6[%parallel_loop3A_163, %parallel_loop3A_164] {strides = array<i32>} : memref<8x4096xf32, #tpu.memory_space<vmem>>, vector<16xf32>,
        %parallel_loop3A_166 = arith.constant 48 : i32
        %parallel_loop3A_167 = arith.addi %parallel_loop3A_150, %parallel_loop3A_166 : i32
        %parallel_loop3A_168 = arith.index_cast %parallel_loop3A_146 : i32 to index
        %parallel_loop3A_169 = arith.index_cast %parallel_loop3A_167 : i32 to index
        %parallel_loop3A_170 = tpu.vector_load %arg6[%parallel_loop3A_168, %parallel_loop3A_169] {strides = array<i32>} : memref<8x4096xf32, #tpu.memory_space<vmem>>, vector<16xf32>,
        %parallel_loop3A_171 = arith.constant 64 : i32
        %parallel_loop3A_172 = arith.addi %parallel_loop3A_150, %parallel_loop3A_171 : i32
        %parallel_loop3A_173 = arith.index_cast %parallel_loop3A_146 : i32 to index
        %parallel_loop3A_174 = arith.index_cast %parallel_loop3A_172 : i32 to index
        %parallel_loop3A_175 = tpu.vector_load %arg6[%parallel_loop3A_173, %parallel_loop3A_174] {strides = array<i32>} : memref<8x4096xf32, #tpu.memory_space<vmem>>, vector<16xf32>,
        %parallel_loop3A_176 = arith.constant 80 : i32
        %parallel_loop3A_177 = arith.addi %parallel_loop3A_150, %parallel_loop3A_176 : i32
        %parallel_loop3A_178 = arith.index_cast %parallel_loop3A_146 : i32 to index
        %parallel_loop3A_179 = arith.index_cast %parallel_loop3A_177 : i32 to index
        %parallel_loop3A_180 = tpu.vector_load %arg6[%parallel_loop3A_178, %parallel_loop3A_179] {strides = array<i32>} : memref<8x4096xf32, #tpu.memory_space<vmem>>, vector<16xf32>,
        %parallel_loop3A_181 = arith.constant 96 : i32
        %parallel_loop3A_182 = arith.addi %parallel_loop3A_150, %parallel_loop3A_181 : i32
        %parallel_loop3A_183 = arith.index_cast %parallel_loop3A_146 : i32 to index
        %parallel_loop3A_184 = arith.index_cast %parallel_loop3A_182 : i32 to index
        %parallel_loop3A_185 = tpu.vector_load %arg6[%parallel_loop3A_183, %parallel_loop3A_184] {strides = array<i32>} : memref<8x4096xf32, #tpu.memory_space<vmem>>, vector<16xf32>,
        %parallel_loop3A_186 = arith.constant 112 : i32
        %parallel_loop3A_187 = arith.addi %parallel_loop3A_150, %parallel_loop3A_186 : i32
        %parallel_loop3A_188 = arith.index_cast %parallel_loop3A_146 : i32 to index
        %parallel_loop3A_189 = arith.index_cast %parallel_loop3A_187 : i32 to index
        %parallel_loop3A_190 = tpu.vector_load %arg6[%parallel_loop3A_188, %parallel_loop3A_189] {strides = array<i32>} : memref<8x4096xf32, #tpu.memory_space<vmem>>, vector<16xf32>,
        %parallel_loop3A_191 = arith.constant 128 : i32
        %parallel_loop3A_192 = arith.addi %parallel_loop3A_150, %parallel_loop3A_191 : i32
        %parallel_loop3A_193 = arith.index_cast %parallel_loop3A_146 : i32 to index
        %parallel_loop3A_194 = arith.index_cast %parallel_loop3A_192 : i32 to index
        %parallel_loop3A_195 = tpu.vector_load %arg6[%parallel_loop3A_193, %parallel_loop3A_194] {strides = array<i32>} : memref<8x4096xf32, #tpu.memory_space<vmem>>, vector<16xf32>,
        %parallel_loop3A_196 = arith.constant 144 : i32
        %parallel_loop3A_197 = arith.addi %parallel_loop3A_150, %parallel_loop3A_196 : i32
        %parallel_loop3A_198 = arith.index_cast %parallel_loop3A_146 : i32 to index
        %parallel_loop3A_199 = arith.index_cast %parallel_loop3A_197 : i32 to index
        %parallel_loop3A_200 = tpu.vector_load %arg6[%parallel_loop3A_198, %parallel_loop3A_199] {strides = array<i32>} : memref<8x4096xf32, #tpu.memory_space<vmem>>, vector<16xf32>,
        %parallel_loop3A_201 = arith.constant 160 : i32
        %parallel_loop3A_202 = arith.addi %parallel_loop3A_150, %parallel_loop3A_201 : i32
        %parallel_loop3A_203 = arith.index_cast %parallel_loop3A_146 : i32 to index
        %parallel_loop3A_204 = arith.index_cast %parallel_loop3A_202 : i32 to index
        %parallel_loop3A_205 = tpu.vector_load %arg6[%parallel_loop3A_203, %parallel_loop3A_204] {strides = array<i32>} : memref<8x4096xf32, #tpu.memory_space<vmem>>, vector<16xf32>,
        %parallel_loop3A_206 = arith.constant 176 : i32
        %parallel_loop3A_207 = arith.addi %parallel_loop3A_150, %parallel_loop3A_206 : i32
        %parallel_loop3A_208 = arith.index_cast %parallel_loop3A_146 : i32 to index
        %parallel_loop3A_209 = arith.index_cast %parallel_loop3A_207 : i32 to index
        %parallel_loop3A_210 = tpu.vector_load %arg6[%parallel_loop3A_208, %parallel_loop3A_209] {strides = array<i32>} : memref<8x4096xf32, #tpu.memory_space<vmem>>, vector<16xf32>,
        %parallel_loop3A_211 = arith.constant 192 : i32
        %parallel_loop3A_212 = arith.addi %parallel_loop3A_150, %parallel_loop3A_211 : i32
        %parallel_loop3A_213 = arith.index_cast %parallel_loop3A_146 : i32 to index
        %parallel_loop3A_214 = arith.index_cast %parallel_loop3A_212 : i32 to index
        %parallel_loop3A_215 = tpu.vector_load %arg6[%parallel_loop3A_213, %parallel_loop3A_214] {strides = array<i32>} : memref<8x4096xf32, #tpu.memory_space<vmem>>, vector<16xf32>,
        %parallel_loop3A_216 = arith.constant 208 : i32
        %parallel_loop3A_217 = arith.addi %parallel_loop3A_150, %parallel_loop3A_216 : i32
        %parallel_loop3A_218 = arith.index_cast %parallel_loop3A_146 : i32 to index
        %parallel_loop3A_219 = arith.index_cast %parallel_loop3A_217 : i32 to index
        %parallel_loop3A_220 = tpu.vector_load %arg6[%parallel_loop3A_218, %parallel_loop3A_219] {strides = array<i32>} : memref<8x4096xf32, #tpu.memory_space<vmem>>, vector<16xf32>,
        %parallel_loop3A_221 = arith.constant 224 : i32
        %parallel_loop3A_222 = arith.addi %parallel_loop3A_150, %parallel_loop3A_221 : i32
        %parallel_loop3A_223 = arith.index_cast %parallel_loop3A_146 : i32 to index
        %parallel_loop3A_224 = arith.index_cast %parallel_loop3A_222 : i32 to index
        %parallel_loop3A_225 = tpu.vector_load %arg6[%parallel_loop3A_223, %parallel_loop3A_224] {strides = array<i32>} : memref<8x4096xf32, #tpu.memory_space<vmem>>, vector<16xf32>,
        %parallel_loop3A_226 = arith.constant 240 : i32
        %parallel_loop3A_227 = arith.addi %parallel_loop3A_150, %parallel_loop3A_226 : i32
        %parallel_loop3A_228 = arith.index_cast %parallel_loop3A_146 : i32 to index
        %parallel_loop3A_229 = arith.index_cast %parallel_loop3A_227 : i32 to index
        %parallel_loop3A_230 = tpu.vector_load %arg6[%parallel_loop3A_228, %parallel_loop3A_229] {strides = array<i32>} : memref<8x4096xf32, #tpu.memory_space<vmem>>, vector<16xf32>,
        %parallel_loop3A_231 = vector.broadcast %squeeze3A_5 : f32 to vector<16xf32>
        %parallel_loop3A_232 = arith.mulf %parallel_loop3A_155, %parallel_loop3A_231 : vector<16xf32>
        %parallel_loop3A_233 = vector.broadcast %add3A_8 : f32 to vector<16xf32>
        %parallel_loop3A_234 = arith.subf %parallel_loop3A_232, %parallel_loop3A_233 : vector<16xf32>
        %parallel_loop3A_235 = arith.addf %parallel_loop3A_234, %add3A_20 : vector<16xf32>
        %parallel_loop3A_236 = vector.bitcast %parallel_loop3A_235 : vector<16xf32> to vector<16xi32>
        %parallel_loop3A_237 = vector.broadcast %scan3A_78 : i32 to vector<16xi32>
        %parallel_loop3A_238 = arith.addi %parallel_loop3A_236, %parallel_loop3A_237 : vector<16xi32>
        tpu.vector_store_idx %arg7[%parallel_loop3A_238], %parallel_loop3A_155 {add = true} : memref<33536xf32, #tpu.memory_space<vmem>>[vector<16xi32>], vector<16xf32>,
        %parallel_loop3A_239 = vector.broadcast %squeeze3A_5 : f32 to vector<16xf32>
        %parallel_loop3A_240 = arith.mulf %parallel_loop3A_160, %parallel_loop3A_239 : vector<16xf32>
        %parallel_loop3A_241 = vector.broadcast %add3A_8 : f32 to vector<16xf32>
        %parallel_loop3A_242 = arith.subf %parallel_loop3A_240, %parallel_loop3A_241 : vector<16xf32>
        %parallel_loop3A_243 = arith.addf %parallel_loop3A_242, %add3A_23 : vector<16xf32>
        %parallel_loop3A_244 = vector.bitcast %parallel_loop3A_243 : vector<16xf32> to vector<16xi32>
        %parallel_loop3A_245 = vector.broadcast %scan3A_78 : i32 to vector<16xi32>
        %parallel_loop3A_246 = arith.addi %parallel_loop3A_244, %parallel_loop3A_245 : vector<16xi32>
        tpu.vector_store_idx %arg7[%parallel_loop3A_246], %parallel_loop3A_160 {add = true} : memref<33536xf32, #tpu.memory_space<vmem>>[vector<16xi32>], vector<16xf32>,
        %parallel_loop3A_247 = vector.broadcast %squeeze3A_5 : f32 to vector<16xf32>
        %parallel_loop3A_248 = arith.mulf %parallel_loop3A_165, %parallel_loop3A_247 : vector<16xf32>
        %parallel_loop3A_249 = vector.broadcast %add3A_8 : f32 to vector<16xf32>
        %parallel_loop3A_250 = arith.subf %parallel_loop3A_248, %parallel_loop3A_249 : vector<16xf32>
        %parallel_loop3A_251 = arith.addf %parallel_loop3A_250, %add3A_26 : vector<16xf32>
        %parallel_loop3A_252 = vector.bitcast %parallel_loop3A_251 : vector<16xf32> to vector<16xi32>
        %parallel_loop3A_253 = vector.broadcast %scan3A_78 : i32 to vector<16xi32>
        %parallel_loop3A_254 = arith.addi %parallel_loop3A_252, %parallel_loop3A_253 : vector<16xi32>
        tpu.vector_store_idx %arg7[%parallel_loop3A_254], %parallel_loop3A_165 {add = true} : memref<33536xf32, #tpu.memory_space<vmem>>[vector<16xi32>], vector<16xf32>,
        %parallel_loop3A_255 = vector.broadcast %squeeze3A_5 : f32 to vector<16xf32>
        %parallel_loop3A_256 = arith.mulf %parallel_loop3A_170, %parallel_loop3A_255 : vector<16xf32>
        %parallel_loop3A_257 = vector.broadcast %add3A_8 : f32 to vector<16xf32>
        %parallel_loop3A_258 = arith.subf %parallel_loop3A_256, %parallel_loop3A_257 : vector<16xf32>
        %parallel_loop3A_259 = arith.addf %parallel_loop3A_258, %add3A_29 : vector<16xf32>
        %parallel_loop3A_260 = vector.bitcast %parallel_loop3A_259 : vector<16xf32> to vector<16xi32>
        %parallel_loop3A_261 = vector.broadcast %scan3A_78 : i32 to vector<16xi32>
        %parallel_loop3A_262 = arith.addi %parallel_loop3A_260, %parallel_loop3A_261 : vector<16xi32>
        tpu.vector_store_idx %arg7[%parallel_loop3A_262], %parallel_loop3A_170 {add = true} : memref<33536xf32, #tpu.memory_space<vmem>>[vector<16xi32>], vector<16xf32>,
        %parallel_loop3A_263 = vector.broadcast %squeeze3A_5 : f32 to vector<16xf32>
        %parallel_loop3A_264 = arith.mulf %parallel_loop3A_175, %parallel_loop3A_263 : vector<16xf32>
        %parallel_loop3A_265 = vector.broadcast %add3A_8 : f32 to vector<16xf32>
        %parallel_loop3A_266 = arith.subf %parallel_loop3A_264, %parallel_loop3A_265 : vector<16xf32>
        %parallel_loop3A_267 = arith.addf %parallel_loop3A_266, %add3A_32 : vector<16xf32>
        %parallel_loop3A_268 = vector.bitcast %parallel_loop3A_267 : vector<16xf32> to vector<16xi32>
        %parallel_loop3A_269 = vector.broadcast %scan3A_78 : i32 to vector<16xi32>
        %parallel_loop3A_270 = arith.addi %parallel_loop3A_268, %parallel_loop3A_269 : vector<16xi32>
        tpu.vector_store_idx %arg7[%parallel_loop3A_270], %parallel_loop3A_175 {add = true} : memref<33536xf32, #tpu.memory_space<vmem>>[vector<16xi32>], vector<16xf32>,
        %parallel_loop3A_271 = vector.broadcast %squeeze3A_5 : f32 to vector<16xf32>
        %parallel_loop3A_272 = arith.mulf %parallel_loop3A_180, %parallel_loop3A_271 : vector<16xf32>
        %parallel_loop3A_273 = vector.broadcast %add3A_8 : f32 to vector<16xf32>
        %parallel_loop3A_274 = arith.subf %parallel_loop3A_272, %parallel_loop3A_273 : vector<16xf32>
        %parallel_loop3A_275 = arith.addf %parallel_loop3A_274, %add3A_35 : vector<16xf32>
        %parallel_loop3A_276 = vector.bitcast %parallel_loop3A_275 : vector<16xf32> to vector<16xi32>
        %parallel_loop3A_277 = vector.broadcast %scan3A_78 : i32 to vector<16xi32>
        %parallel_loop3A_278 = arith.addi %parallel_loop3A_276, %parallel_loop3A_277 : vector<16xi32>
        tpu.vector_store_idx %arg7[%parallel_loop3A_278], %parallel_loop3A_180 {add = true} : memref<33536xf32, #tpu.memory_space<vmem>>[vector<16xi32>], vector<16xf32>,
        %parallel_loop3A_279 = vector.broadcast %squeeze3A_5 : f32 to vector<16xf32>
        %parallel_loop3A_280 = arith.mulf %parallel_loop3A_185, %parallel_loop3A_279 : vector<16xf32>
        %parallel_loop3A_281 = vector.broadcast %add3A_8 : f32 to vector<16xf32>
        %parallel_loop3A_282 = arith.subf %parallel_loop3A_280, %parallel_loop3A_281 : vector<16xf32>
        %parallel_loop3A_283 = arith.addf %parallel_loop3A_282, %add3A_38 : vector<16xf32>
        %parallel_loop3A_284 = vector.bitcast %parallel_loop3A_283 : vector<16xf32> to vector<16xi32>
        %parallel_loop3A_285 = vector.broadcast %scan3A_78 : i32 to vector<16xi32>
        %parallel_loop3A_286 = arith.addi %parallel_loop3A_284, %parallel_loop3A_285 : vector<16xi32>
        tpu.vector_store_idx %arg7[%parallel_loop3A_286], %parallel_loop3A_185 {add = true} : memref<33536xf32, #tpu.memory_space<vmem>>[vector<16xi32>], vector<16xf32>,
        %parallel_loop3A_287 = vector.broadcast %squeeze3A_5 : f32 to vector<16xf32>
        %parallel_loop3A_288 = arith.mulf %parallel_loop3A_190, %parallel_loop3A_287 : vector<16xf32>
        %parallel_loop3A_289 = vector.broadcast %add3A_8 : f32 to vector<16xf32>
        %parallel_loop3A_290 = arith.subf %parallel_loop3A_288, %parallel_loop3A_289 : vector<16xf32>
        %parallel_loop3A_291 = arith.addf %parallel_loop3A_290, %add3A_41 : vector<16xf32>
        %parallel_loop3A_292 = vector.bitcast %parallel_loop3A_291 : vector<16xf32> to vector<16xi32>
        %parallel_loop3A_293 = vector.broadcast %scan3A_78 : i32 to vector<16xi32>
        %parallel_loop3A_294 = arith.addi %parallel_loop3A_292, %parallel_loop3A_293 : vector<16xi32>
        tpu.vector_store_idx %arg7[%parallel_loop3A_294], %parallel_loop3A_190 {add = true} : memref<33536xf32, #tpu.memory_space<vmem>>[vector<16xi32>], vector<16xf32>,
        %parallel_loop3A_295 = vector.broadcast %squeeze3A_5 : f32 to vector<16xf32>
        %parallel_loop3A_296 = arith.mulf %parallel_loop3A_195, %parallel_loop3A_295 : vector<16xf32>
        %parallel_loop3A_297 = vector.broadcast %add3A_8 : f32 to vector<16xf32>
        %parallel_loop3A_298 = arith.subf %parallel_loop3A_296, %parallel_loop3A_297 : vector<16xf32>
        %parallel_loop3A_299 = arith.addf %parallel_loop3A_298, %add3A_44 : vector<16xf32>
        %parallel_loop3A_300 = vector.bitcast %parallel_loop3A_299 : vector<16xf32> to vector<16xi32>
        %parallel_loop3A_301 = vector.broadcast %scan3A_78 : i32 to vector<16xi32>
        %parallel_loop3A_302 = arith.addi %parallel_loop3A_300, %parallel_loop3A_301 : vector<16xi32>
        tpu.vector_store_idx %arg7[%parallel_loop3A_302], %parallel_loop3A_195 {add = true} : memref<33536xf32, #tpu.memory_space<vmem>>[vector<16xi32>], vector<16xf32>,
        %parallel_loop3A_303 = vector.broadcast %squeeze3A_5 : f32 to vector<16xf32>
        %parallel_loop3A_304 = arith.mulf %parallel_loop3A_200, %parallel_loop3A_303 : vector<16xf32>
        %parallel_loop3A_305 = vector.broadcast %add3A_8 : f32 to vector<16xf32>
        %parallel_loop3A_306 = arith.subf %parallel_loop3A_304, %parallel_loop3A_305 : vector<16xf32>
        %parallel_loop3A_307 = arith.addf %parallel_loop3A_306, %add3A_47 : vector<16xf32>
        %parallel_loop3A_308 = vector.bitcast %parallel_loop3A_307 : vector<16xf32> to vector<16xi32>
        %parallel_loop3A_309 = vector.broadcast %scan3A_78 : i32 to vector<16xi32>
        %parallel_loop3A_310 = arith.addi %parallel_loop3A_308, %parallel_loop3A_309 : vector<16xi32>
        tpu.vector_store_idx %arg7[%parallel_loop3A_310], %parallel_loop3A_200 {add = true} : memref<33536xf32, #tpu.memory_space<vmem>>[vector<16xi32>], vector<16xf32>,
        %parallel_loop3A_311 = vector.broadcast %squeeze3A_5 : f32 to vector<16xf32>
        %parallel_loop3A_312 = arith.mulf %parallel_loop3A_205, %parallel_loop3A_311 : vector<16xf32>
        %parallel_loop3A_313 = vector.broadcast %add3A_8 : f32 to vector<16xf32>
        %parallel_loop3A_314 = arith.subf %parallel_loop3A_312, %parallel_loop3A_313 : vector<16xf32>
        %parallel_loop3A_315 = arith.addf %parallel_loop3A_314, %add3A_50 : vector<16xf32>
        %parallel_loop3A_316 = vector.bitcast %parallel_loop3A_315 : vector<16xf32> to vector<16xi32>
        %parallel_loop3A_317 = vector.broadcast %scan3A_78 : i32 to vector<16xi32>
        %parallel_loop3A_318 = arith.addi %parallel_loop3A_316, %parallel_loop3A_317 : vector<16xi32>
        tpu.vector_store_idx %arg7[%parallel_loop3A_318], %parallel_loop3A_205 {add = true} : memref<33536xf32, #tpu.memory_space<vmem>>[vector<16xi32>], vector<16xf32>,
        %parallel_loop3A_319 = vector.broadcast %squeeze3A_5 : f32 to vector<16xf32>
        %parallel_loop3A_320 = arith.mulf %parallel_loop3A_210, %parallel_loop3A_319 : vector<16xf32>
        %parallel_loop3A_321 = vector.broadcast %add3A_8 : f32 to vector<16xf32>
        %parallel_loop3A_322 = arith.subf %parallel_loop3A_320, %parallel_loop3A_321 : vector<16xf32>
        %parallel_loop3A_323 = arith.addf %parallel_loop3A_322, %add3A_53 : vector<16xf32>
        %parallel_loop3A_324 = vector.bitcast %parallel_loop3A_323 : vector<16xf32> to vector<16xi32>
        %parallel_loop3A_325 = vector.broadcast %scan3A_78 : i32 to vector<16xi32>
        %parallel_loop3A_326 = arith.addi %parallel_loop3A_324, %parallel_loop3A_325 : vector<16xi32>
        tpu.vector_store_idx %arg7[%parallel_loop3A_326], %parallel_loop3A_210 {add = true} : memref<33536xf32, #tpu.memory_space<vmem>>[vector<16xi32>], vector<16xf32>,
        %parallel_loop3A_327 = vector.broadcast %squeeze3A_5 : f32 to vector<16xf32>
        %parallel_loop3A_328 = arith.mulf %parallel_loop3A_215, %parallel_loop3A_327 : vector<16xf32>
        %parallel_loop3A_329 = vector.broadcast %add3A_8 : f32 to vector<16xf32>
        %parallel_loop3A_330 = arith.subf %parallel_loop3A_328, %parallel_loop3A_329 : vector<16xf32>
        %parallel_loop3A_331 = arith.addf %parallel_loop3A_330, %add3A_56 : vector<16xf32>
        %parallel_loop3A_332 = vector.bitcast %parallel_loop3A_331 : vector<16xf32> to vector<16xi32>
        %parallel_loop3A_333 = vector.broadcast %scan3A_78 : i32 to vector<16xi32>
        %parallel_loop3A_334 = arith.addi %parallel_loop3A_332, %parallel_loop3A_333 : vector<16xi32>
        tpu.vector_store_idx %arg7[%parallel_loop3A_334], %parallel_loop3A_215 {add = true} : memref<33536xf32, #tpu.memory_space<vmem>>[vector<16xi32>], vector<16xf32>,
        %parallel_loop3A_335 = vector.broadcast %squeeze3A_5 : f32 to vector<16xf32>
        %parallel_loop3A_336 = arith.mulf %parallel_loop3A_220, %parallel_loop3A_335 : vector<16xf32>
        %parallel_loop3A_337 = vector.broadcast %add3A_8 : f32 to vector<16xf32>
        %parallel_loop3A_338 = arith.subf %parallel_loop3A_336, %parallel_loop3A_337 : vector<16xf32>
        %parallel_loop3A_339 = arith.addf %parallel_loop3A_338, %add3A_59 : vector<16xf32>
        %parallel_loop3A_340 = vector.bitcast %parallel_loop3A_339 : vector<16xf32> to vector<16xi32>
        %parallel_loop3A_341 = vector.broadcast %scan3A_78 : i32 to vector<16xi32>
        %parallel_loop3A_342 = arith.addi %parallel_loop3A_340, %parallel_loop3A_341 : vector<16xi32>
        tpu.vector_store_idx %arg7[%parallel_loop3A_342], %parallel_loop3A_220 {add = true} : memref<33536xf32, #tpu.memory_space<vmem>>[vector<16xi32>], vector<16xf32>,
        %parallel_loop3A_343 = vector.broadcast %squeeze3A_5 : f32 to vector<16xf32>
        %parallel_loop3A_344 = arith.mulf %parallel_loop3A_225, %parallel_loop3A_343 : vector<16xf32>
        %parallel_loop3A_345 = vector.broadcast %add3A_8 : f32 to vector<16xf32>
        %parallel_loop3A_346 = arith.subf %parallel_loop3A_344, %parallel_loop3A_345 : vector<16xf32>
        %parallel_loop3A_347 = arith.addf %parallel_loop3A_346, %add3A_62 : vector<16xf32>
        %parallel_loop3A_348 = vector.bitcast %parallel_loop3A_347 : vector<16xf32> to vector<16xi32>
        %parallel_loop3A_349 = vector.broadcast %scan3A_78 : i32 to vector<16xi32>
        %parallel_loop3A_350 = arith.addi %parallel_loop3A_348, %parallel_loop3A_349 : vector<16xi32>
        tpu.vector_store_idx %arg7[%parallel_loop3A_350], %parallel_loop3A_225 {add = true} : memref<33536xf32, #tpu.memory_space<vmem>>[vector<16xi32>], vector<16xf32>,
        %parallel_loop3A_351 = vector.broadcast %squeeze3A_5 : f32 to vector<16xf32>
        %parallel_loop3A_352 = arith.mulf %parallel_loop3A_230, %parallel_loop3A_351 : vector<16xf32>
        %parallel_loop3A_353 = vector.broadcast %add3A_8 : f32 to vector<16xf32>
        %parallel_loop3A_354 = arith.subf %parallel_loop3A_352, %parallel_loop3A_353 : vector<16xf32>
        %parallel_loop3A_355 = arith.addf %parallel_loop3A_354, %add3A_65 : vector<16xf32>
        %parallel_loop3A_356 = vector.bitcast %parallel_loop3A_355 : vector<16xf32> to vector<16xi32>
        %parallel_loop3A_357 = vector.broadcast %scan3A_78 : i32 to vector<16xi32>
        %parallel_loop3A_358 = arith.addi %parallel_loop3A_356, %parallel_loop3A_357 : vector<16xi32>
        tpu.vector_store_idx %arg7[%parallel_loop3A_358], %parallel_loop3A_230 {add = true} : memref<33536xf32, #tpu.memory_space<vmem>>[vector<16xi32>], vector<16xf32>,
      } {sc.loop_unroll_factor = 1 : i64, sc.parallel_access}
      %lt3A_139 = arith.constant 7 : i32
      %lt3A_140 = arith.cmpi slt, %scan3A_123, %lt3A_139 : i32
      %convert_element_type3A_141 = arith.extui %lt3A_140 : i1 to i32
      %cond3A_142 = arith.constant 0 : i32
      %cond3A_143 = arith.cmpi ne, %convert_element_type3A_141, %cond3A_142 : i32
      scf.if %cond3A_143 {
        %mul3A_144 = arith.constant 2 : i32
        %mul3A_145 = arith.muli %mul3A_144, %scan3A_123 : i32
        %add3A_146 = arith.constant 3 : i32
        %add3A_147 = arith.addi %mul3A_145, %add3A_146 : i32
        %mul3A_148 = arith.constant 8 : i32
        %mul3A_149 = arith.muli %add3A_147, %mul3A_148 : i32
        %add3A_150 = arith.addi %mul3A_2, %mul3A_149 : i32
        %dma_start3A_151 = arith.constant 0 : i32
        %dma_start3A_152 = tpu.memref_slice %arg2[%add3A_150, %dma_start3A_151] : memref<4096x4096xf32, #tpu.memory_space<hbm>> -> memref<8x4096xf32, #tpu.memory_space<hbm>>
        %dma_start3A_153 = arith.constant 0 : i32
        %dma_start3A_154 = tpu.memref_slice %arg2[%add3A_150, %dma_start3A_153] : memref<4096x4096xf32, #tpu.memory_space<hbm>> -> memref<8x4096xf32, #tpu.memory_space<hbm>>
        tpu.enqueue_dma source(%dma_start3A_154 : memref<8x4096xf32, #tpu.memory_space<hbm>>) target(%arg6 : memref<8x4096xf32, #tpu.memory_space<vmem>>) target_semaphore(%arg11 : memref<!tpu.dma_semaphore, #tpu.memory_space<semaphore_mem>>)
      } else {
      }
    }
    %scan3A_83 = arith.constant 8 : i32
    %broadcast_in_dim3A_84 = arith.constant 0.000000e+00 : f32
    %broadcast_in_dim3A_85 = vector.broadcast %broadcast_in_dim3A_84 : f32 to vector<16xf32>
    %broadcast_in_dim3A_86 = arith.constant 0.000000e+00 : f32
    %broadcast_in_dim3A_87 = vector.broadcast %broadcast_in_dim3A_86 : f32 to vector<16xf32>
    %broadcast_in_dim3A_88 = arith.constant 0.000000e+00 : f32
    %broadcast_in_dim3A_89 = vector.broadcast %broadcast_in_dim3A_88 : f32 to vector<16xf32>
    %broadcast_in_dim3A_90 = arith.constant 0.000000e+00 : f32
    %broadcast_in_dim3A_91 = vector.broadcast %broadcast_in_dim3A_90 : f32 to vector<16xf32>
    %broadcast_in_dim3A_92 = arith.constant 0.000000e+00 : f32
    %broadcast_in_dim3A_93 = vector.broadcast %broadcast_in_dim3A_92 : f32 to vector<16xf32>
    %broadcast_in_dim3A_94 = arith.constant 0.000000e+00 : f32
    %broadcast_in_dim3A_95 = vector.broadcast %broadcast_in_dim3A_94 : f32 to vector<16xf32>
    %broadcast_in_dim3A_96 = arith.constant 0.000000e+00 : f32
    %broadcast_in_dim3A_97 = vector.broadcast %broadcast_in_dim3A_96 : f32 to vector<16xf32>
    %broadcast_in_dim3A_98 = arith.constant 0.000000e+00 : f32
    %broadcast_in_dim3A_99 = vector.broadcast %broadcast_in_dim3A_98 : f32 to vector<16xf32>
    %scan3A_100 = arith.constant 0 : i32
    %scan3A_101 = arith.constant 256 : i32
    %scan3A_102 = arith.addi %scan3A_100, %scan3A_101 : i32
    %scan3A_103 = arith.constant 1 : i32
    %scan3A_104:8 = scf.for %scan3A_123 = %scan3A_100 to %scan3A_102 step %scan3A_103 iter_args(%scan3A_124 = %broadcast_in_dim3A_85, %scan3A_125 = %broadcast_in_dim3A_87, %scan3A_126 = %broadcast_in_dim3A_89, %scan3A_127 = %broadcast_in_dim3A_91, %scan3A_128 = %broadcast_in_dim3A_93, %scan3A_129 = %broadcast_in_dim3A_95, %scan3A_130 = %broadcast_in_dim3A_97, %scan3A_131 = %broadcast_in_dim3A_99) -> (vector<16xf32>, vector<16xf32>, vector<16xf32>, vector<16xf32>, vector<16xf32>, vector<16xf32>, vector<16xf32>, vector<16xf32>)  : i32 {
      %mul3A_132 = arith.constant 131 : i32
      %mul3A_133 = arith.muli %scan3A_123, %mul3A_132 : i32
      %add3A_134 = arith.constant 1 : i32
      %add3A_135 = arith.addi %mul3A_133, %add3A_134 : i32
      %add3A_136 = arith.constant 0 : i32
      %add3A_137 = arith.addi %add3A_135, %add3A_136 : i32
      %get3A_138 = arith.index_cast %add3A_137 : i32 to index
      %get3A_139 = tpu.vector_load %arg7[%get3A_138] {strides = array<i32>} : memref<33536xf32, #tpu.memory_space<vmem>>, vector<16xf32>,
      %add3A_140 = arith.addf %scan3A_124, %get3A_139 : vector<16xf32>
      %add3A_141 = arith.constant 16 : i32
      %add3A_142 = arith.addi %add3A_135, %add3A_141 : i32
      %get3A_143 = arith.index_cast %add3A_142 : i32 to index
      %get3A_144 = tpu.vector_load %arg7[%get3A_143] {strides = array<i32>} : memref<33536xf32, #tpu.memory_space<vmem>>, vector<16xf32>,
      %add3A_145 = arith.addf %scan3A_125, %get3A_144 : vector<16xf32>
      %add3A_146 = arith.constant 32 : i32
      %add3A_147 = arith.addi %add3A_135, %add3A_146 : i32
      %get3A_148 = arith.index_cast %add3A_147 : i32 to index
      %get3A_149 = tpu.vector_load %arg7[%get3A_148] {strides = array<i32>} : memref<33536xf32, #tpu.memory_space<vmem>>, vector<16xf32>,
      %add3A_150 = arith.addf %scan3A_126, %get3A_149 : vector<16xf32>
      %add3A_151 = arith.constant 48 : i32
      %add3A_152 = arith.addi %add3A_135, %add3A_151 : i32
      %get3A_153 = arith.index_cast %add3A_152 : i32 to index
      %get3A_154 = tpu.vector_load %arg7[%get3A_153] {strides = array<i32>} : memref<33536xf32, #tpu.memory_space<vmem>>, vector<16xf32>,
      %add3A_155 = arith.addf %scan3A_127, %get3A_154 : vector<16xf32>
      %add3A_156 = arith.constant 64 : i32
      %add3A_157 = arith.addi %add3A_135, %add3A_156 : i32
      %get3A_158 = arith.index_cast %add3A_157 : i32 to index
      %get3A_159 = tpu.vector_load %arg7[%get3A_158] {strides = array<i32>} : memref<33536xf32, #tpu.memory_space<vmem>>, vector<16xf32>,
      %add3A_160 = arith.addf %scan3A_128, %get3A_159 : vector<16xf32>
      %add3A_161 = arith.constant 80 : i32
      %add3A_162 = arith.addi %add3A_135, %add3A_161 : i32
      %get3A_163 = arith.index_cast %add3A_162 : i32 to index
      %get3A_164 = tpu.vector_load %arg7[%get3A_163] {strides = array<i32>} : memref<33536xf32, #tpu.memory_space<vmem>>, vector<16xf32>,
      %add3A_165 = arith.addf %scan3A_129, %get3A_164 : vector<16xf32>
      %add3A_166 = arith.constant 96 : i32
      %add3A_167 = arith.addi %add3A_135, %add3A_166 : i32
      %get3A_168 = arith.index_cast %add3A_167 : i32 to index
      %get3A_169 = tpu.vector_load %arg7[%get3A_168] {strides = array<i32>} : memref<33536xf32, #tpu.memory_space<vmem>>, vector<16xf32>,
      %add3A_170 = arith.addf %scan3A_130, %get3A_169 : vector<16xf32>
      %add3A_171 = arith.constant 112 : i32
      %add3A_172 = arith.addi %add3A_135, %add3A_171 : i32
      %get3A_173 = arith.index_cast %add3A_172 : i32 to index
      %get3A_174 = tpu.vector_load %arg7[%get3A_173] {strides = array<i32>} : memref<33536xf32, #tpu.memory_space<vmem>>, vector<16xf32>,
      %add3A_175 = arith.addf %scan3A_131, %get3A_174 : vector<16xf32>
      scf.yield %add3A_140, %add3A_145, %add3A_150, %add3A_155, %add3A_160, %add3A_165, %add3A_170, %add3A_175 : vector<16xf32>, vector<16xf32>, vector<16xf32>, vector<16xf32>, vector<16xf32>, vector<16xf32>, vector<16xf32>, vector<16xf32>
    }
    %scan3A_105 = arith.constant 256 : i32
    %swap3A = arith.constant 0 : index
    %swap3A_106 = tpu.vector_load %arg8[%swap3A] {strides = array<i32>} : memref<128xf32, #tpu.memory_space<vmem>>, vector<16xf32>,
    tpu.vector_store %arg8[%swap3A], %scan3A_104#0 {strides = array<i32>} : memref<128xf32, #tpu.memory_space<vmem>>, vector<16xf32>,
    %swap3A_107 = arith.constant 16 : index
    %swap3A_108 = tpu.vector_load %arg8[%swap3A_107] {strides = array<i32>} : memref<128xf32, #tpu.memory_space<vmem>>, vector<16xf32>,
    tpu.vector_store %arg8[%swap3A_107], %scan3A_104#1 {strides = array<i32>} : memref<128xf32, #tpu.memory_space<vmem>>, vector<16xf32>,
    %swap3A_109 = arith.constant 32 : index
    %swap3A_110 = tpu.vector_load %arg8[%swap3A_109] {strides = array<i32>} : memref<128xf32, #tpu.memory_space<vmem>>, vector<16xf32>,
    tpu.vector_store %arg8[%swap3A_109], %scan3A_104#2 {strides = array<i32>} : memref<128xf32, #tpu.memory_space<vmem>>, vector<16xf32>,
    %swap3A_111 = arith.constant 48 : index
    %swap3A_112 = tpu.vector_load %arg8[%swap3A_111] {strides = array<i32>} : memref<128xf32, #tpu.memory_space<vmem>>, vector<16xf32>,
    tpu.vector_store %arg8[%swap3A_111], %scan3A_104#3 {strides = array<i32>} : memref<128xf32, #tpu.memory_space<vmem>>, vector<16xf32>,
    %swap3A_113 = arith.constant 64 : index
    %swap3A_114 = tpu.vector_load %arg8[%swap3A_113] {strides = array<i32>} : memref<128xf32, #tpu.memory_space<vmem>>, vector<16xf32>,
    tpu.vector_store %arg8[%swap3A_113], %scan3A_104#4 {strides = array<i32>} : memref<128xf32, #tpu.memory_space<vmem>>, vector<16xf32>,
    %swap3A_115 = arith.constant 80 : index
    %swap3A_116 = tpu.vector_load %arg8[%swap3A_115] {strides = array<i32>} : memref<128xf32, #tpu.memory_space<vmem>>, vector<16xf32>,
    tpu.vector_store %arg8[%swap3A_115], %scan3A_104#5 {strides = array<i32>} : memref<128xf32, #tpu.memory_space<vmem>>, vector<16xf32>,
    %swap3A_117 = arith.constant 96 : index
    %swap3A_118 = tpu.vector_load %arg8[%swap3A_117] {strides = array<i32>} : memref<128xf32, #tpu.memory_space<vmem>>, vector<16xf32>,
    tpu.vector_store %arg8[%swap3A_117], %scan3A_104#6 {strides = array<i32>} : memref<128xf32, #tpu.memory_space<vmem>>, vector<16xf32>,
    %swap3A_119 = arith.constant 112 : index
    %swap3A_120 = tpu.vector_load %arg8[%swap3A_119] {strides = array<i32>} : memref<128xf32, #tpu.memory_space<vmem>>, vector<16xf32>,
    tpu.vector_store %arg8[%swap3A_119], %scan3A_104#7 {strides = array<i32>} : memref<128xf32, #tpu.memory_space<vmem>>, vector<16xf32>,
    %mul3A_121 = arith.constant 128 : i32
    %mul3A_122 = arith.muli %add3A, %mul3A_121 : i32
    "tpu.region"() ({
      %run_scoped3A = tpu.sem_alloc : memref<!tpu.dma_semaphore, #tpu.memory_space<semaphore_mem>>
      %dma_start3A_123 = tpu.memref_slice %arg4[%mul3A_122] : memref<4096xf32, #tpu.memory_space<hbm>> -> memref<128xf32, #tpu.memory_space<hbm>>
      %dma_start3A_124 = tpu.memref_slice %arg4[%mul3A_122] : memref<4096xf32, #tpu.memory_space<hbm>> -> memref<128xf32, #tpu.memory_space<hbm>>
      tpu.enqueue_dma source(%arg8 : memref<128xf32, #tpu.memory_space<vmem>>) target(%dma_start3A_124 : memref<128xf32, #tpu.memory_space<hbm>>) target_semaphore(%run_scoped3A : memref<!tpu.dma_semaphore, #tpu.memory_space<semaphore_mem>>)
      %dma_wait3A = tpu.memref_slice %arg4[%mul3A_122] : memref<4096xf32, #tpu.memory_space<hbm>> -> memref<128xf32, #tpu.memory_space<hbm>>
      %dma_wait3A_125 = tpu.memref_slice %arg4[%mul3A_122] : memref<4096xf32, #tpu.memory_space<hbm>> -> memref<128xf32, #tpu.memory_space<hbm>>
      tpu.wait_dma2 semaphore(%run_scoped3A : memref<!tpu.dma_semaphore, #tpu.memory_space<semaphore_mem>>) src(%arg8 : memref<128xf32, #tpu.memory_space<vmem>>) dst(%dma_wait3A_125 : memref<128xf32, #tpu.memory_space<hbm>>)
      tpu.yield
    }) : () -> ()
    return
  }
}

module attributes {stable_mosaic.version = 14 : i64} {
  func.func @_assemble_body(%arg0: memref<1x4096xf32, #tpu.memory_space<vmem>>, %arg1: memref<32x128xf32, #tpu.memory_space<vmem>>, %arg2: memref<1x4224xf32, #tpu.memory_space<vmem>>) attributes {dimension_semantics = [], scalar_prefetch = 0 : i64, scratch_operands = 0 : i64, tpu.core_type = #tpu.core_type<tc>} {
    %get3A = arith.constant 0 : index
    %get3A_0 = arith.constant 0 : index
    %get3A_1 = vector.load %arg0[%get3A, %get3A_0] : memref<1x4096xf32, #tpu.memory_space<vmem>>, vector<1x4096xf32>
    %swap3A = arith.constant 0 : index
    %swap3A_2 = arith.constant 0 : index
    %swap3A_3 = vector.load %arg2[%swap3A, %swap3A_2] : memref<1x4224xf32, #tpu.memory_space<vmem>>, vector<1x4096xf32>
    tpu.vector_store %arg2[%swap3A, %swap3A_2], %get3A_1 {strides = array<i32>} : memref<1x4224xf32, #tpu.memory_space<vmem>>, vector<1x4096xf32>,
    %get3A_4 = arith.constant 0 : index
    %get3A_5 = arith.constant 0 : index
    %get3A_6 = vector.load %arg1[%get3A_4, %get3A_5] : memref<32x128xf32, #tpu.memory_space<vmem>>, vector<32x128xf32>
    %reduce_sum3A = arith.constant dense<0.000000e+00> : vector<128xf32>
    %reduce_sum3A_7 = vector.multi_reduction <add>, %get3A_6, %reduce_sum3A [0] : vector<32x128xf32> to vector<128xf32>
    %broadcast_in_dim3A = vector.shape_cast %reduce_sum3A_7 : vector<128xf32> to vector<1x128xf32>
    %swap3A_8 = arith.constant 0 : index
    %swap3A_9 = arith.constant 4096 : index
    %swap3A_10 = vector.load %arg2[%swap3A_8, %swap3A_9] : memref<1x4224xf32, #tpu.memory_space<vmem>>, vector<1x128xf32>
    tpu.vector_store %arg2[%swap3A_8, %swap3A_9], %broadcast_in_dim3A {strides = array<i32>} : memref<1x4224xf32, #tpu.memory_space<vmem>>, vector<1x128xf32>,
    return
  }
}

module attributes {stable_mosaic.version = 14 : i64} {
  func.func @_stats_body(%arg0: i32, %arg1: memref<256x4096xf32, #tpu.memory_space<vmem>>, %arg2: memref<256x4096xf32, #tpu.memory_space<vmem>>, %arg3: memref<1x4096xf32, #tpu.memory_space<vmem>>, %arg4: memref<1x128xf32, #tpu.memory_space<vmem>>) attributes {dimension_semantics = [#tpu.dimension_semantics<arbitrary>], iteration_bounds = array<i64: 16>, scalar_prefetch = 0 : i64, scratch_operands = 0 : i64, tpu.core_type = #tpu.core_type<tc>, window_params = [{transform_indices = @transform_0, window_bounds = array<i64: 256, 4096>}, {transform_indices = @transform_1, window_bounds = array<i64: 256, 4096>}, {pipeline_mode = #tpu.pipeline_mode<synchronous>, transform_indices = @transform_2, window_bounds = array<i64: 1, 4096>}, {pipeline_mode = #tpu.pipeline_mode<synchronous>, transform_indices = @transform_3, window_bounds = array<i64: 1, 128>}]} {
    %get3A = arith.constant 0 : index
    %get3A_0 = arith.constant 0 : index
    %get3A_1 = vector.load %arg1[%get3A, %get3A_0] : memref<256x4096xf32, #tpu.memory_space<vmem>>, vector<256x4096xf32>
    %reduce_max3A = arith.constant dense<0xFF800000> : vector<256xf32>
    %reduce_max3A_2 = vector.multi_reduction <maximumf>, %get3A_1, %reduce_max3A [1] : vector<256x4096xf32> to vector<256xf32>
    %broadcast_in_dim3A = vector.shape_cast %reduce_max3A_2 : vector<256xf32> to vector<256x1xf32>
    %sub3A = vector.broadcast %broadcast_in_dim3A : vector<256x1xf32> to vector<256x4096xf32>
    %sub3A_3 = arith.subf %get3A_1, %sub3A : vector<256x4096xf32>
    %exp3A = math.exp %sub3A_3 : vector<256x4096xf32>
    %reduce_sum3A = arith.constant dense<0.000000e+00> : vector<256xf32>
    %reduce_sum3A_4 = vector.multi_reduction <add>, %exp3A, %reduce_sum3A [1] : vector<256x4096xf32> to vector<256xf32>
    %broadcast_in_dim3A_5 = vector.shape_cast %reduce_sum3A_4 : vector<256xf32> to vector<256x1xf32>
    %div3A = arith.constant 1.000000e+00 : f32
    %div3A_6 = vector.broadcast %div3A : f32 to vector<256x1xf32>
    %div3A_7 = arith.divf %div3A_6, %broadcast_in_dim3A_5 : vector<256x1xf32>
    %mul3A = vector.broadcast %div3A_7 : vector<256x1xf32> to vector<256x4096xf32>
    %mul3A_8 = arith.mulf %exp3A, %mul3A : vector<256x4096xf32>
    %swap3A = arith.constant 0 : index
    %swap3A_9 = arith.constant 0 : index
    %swap3A_10 = vector.load %arg2[%swap3A, %swap3A_9] : memref<256x4096xf32, #tpu.memory_space<vmem>>, vector<256x4096xf32>
    tpu.vector_store %arg2[%swap3A, %swap3A_9], %mul3A_8 {strides = array<i32>} : memref<256x4096xf32, #tpu.memory_space<vmem>>, vector<256x4096xf32>,
    %reduce_sum3A_11 = arith.constant dense<0.000000e+00> : vector<4096xf32>
    %reduce_sum3A_12 = vector.multi_reduction <add>, %get3A_1, %reduce_sum3A_11 [0] : vector<256x4096xf32> to vector<4096xf32>
    %broadcast_in_dim3A_13 = vector.shape_cast %reduce_sum3A_12 : vector<4096xf32> to vector<1x4096xf32>
    %reduce_max3A_14 = vector.shape_cast %div3A_7 : vector<256x1xf32> to vector<1x256x1xf32>
    %reduce_max3A_15 = arith.constant dense<0xFF800000> : vector<1xf32>
    %reduce_max3A_16 = vector.multi_reduction <maximumf>, %reduce_max3A_14, %reduce_max3A_15 [1, 2] : vector<1x256x1xf32> to vector<1xf32>
    %reduce_max3A_17 = vector.shape_cast %reduce_max3A_16 : vector<1xf32> to vector<1x1x1xf32>
    %reduce_max3A_18 = vector.extract %reduce_max3A_17[0, 0, 0] : f32 from vector<1x1x1xf32>
    %reduce_min3A = vector.shape_cast %mul3A_8 : vector<256x4096xf32> to vector<1x256x4096xf32>
    %reduce_min3A_19 = arith.constant dense<0x7F800000> : vector<1xf32>
    %reduce_min3A_20 = vector.multi_reduction <minimumf>, %reduce_min3A, %reduce_min3A_19 [1, 2] : vector<1x256x4096xf32> to vector<1xf32>
    %reduce_min3A_21 = vector.shape_cast %reduce_min3A_20 : vector<1xf32> to vector<1x1x1xf32>
    %reduce_min3A_22 = vector.extract %reduce_min3A_21[0, 0, 0] : f32 from vector<1x1x1xf32>
    %iota3A = tpu.iota {dimensions = array<i32: 1>} : vector<1x128xi32>
    %eq3A = arith.constant 0 : i32
    %eq3A_23 = vector.broadcast %eq3A : i32 to vector<1x128xi32>
    %eq3A_24 = arith.cmpi eq, %iota3A, %eq3A_23 : vector<1x128xi32>
    %broadcast_in_dim3A_25 = vector.broadcast %reduce_min3A_22 : f32 to vector<1x128xf32>
    %broadcast_in_dim3A_26 = vector.broadcast %reduce_max3A_18 : f32 to vector<1x128xf32>
    %select_n3A = arith.select %eq3A_24, %broadcast_in_dim3A_25, %broadcast_in_dim3A_26 : vector<1x128xi1>, vector<1x128xf32>
    %eq3A_27 = arith.constant 0 : i32
    %eq3A_28 = arith.cmpi eq, %arg0, %eq3A_27 : i32
    %convert_element_type3A = arith.extui %eq3A_28 : i1 to i32
    %cond3A = arith.constant 0 : i32
    %cond3A_29 = arith.cmpi ne, %convert_element_type3A, %cond3A : i32
    scf.if %cond3A_29 {
      %swap3A_39 = arith.constant 0 : index
      %swap3A_40 = arith.constant 0 : index
      %swap3A_41 = vector.load %arg3[%swap3A_39, %swap3A_40] : memref<1x4096xf32, #tpu.memory_space<vmem>>, vector<1x4096xf32>
      tpu.vector_store %arg3[%swap3A_39, %swap3A_40], %broadcast_in_dim3A_13 {strides = array<i32>} : memref<1x4096xf32, #tpu.memory_space<vmem>>, vector<1x4096xf32>,
      %swap3A_42 = arith.constant 0 : index
      %swap3A_43 = arith.constant 0 : index
      %swap3A_44 = vector.load %arg4[%swap3A_42, %swap3A_43] : memref<1x128xf32, #tpu.memory_space<vmem>>, vector<1x128xf32>
      tpu.vector_store %arg4[%swap3A_42, %swap3A_43], %select_n3A {strides = array<i32>} : memref<1x128xf32, #tpu.memory_space<vmem>>, vector<1x128xf32>,
    } else {
    }
    %gt3A = arith.constant 0 : i32
    %gt3A_30 = arith.cmpi sgt, %arg0, %gt3A : i32
    %convert_element_type3A_31 = arith.extui %gt3A_30 : i1 to i32
    %cond3A_32 = arith.constant 0 : i32
    %cond3A_33 = arith.cmpi ne, %convert_element_type3A_31, %cond3A_32 : i32
    scf.if %cond3A_33 {
      %get3A_39 = arith.constant 0 : index
      %get3A_40 = arith.constant 0 : index
      %get3A_41 = vector.load %arg3[%get3A_39, %get3A_40] : memref<1x4096xf32, #tpu.memory_space<vmem>>, vector<1x4096xf32>
      %add3A = arith.addf %get3A_41, %broadcast_in_dim3A_13 : vector<1x4096xf32>
      %swap3A_42 = arith.constant 0 : index
      %swap3A_43 = arith.constant 0 : index
      %swap3A_44 = vector.load %arg3[%swap3A_42, %swap3A_43] : memref<1x4096xf32, #tpu.memory_space<vmem>>, vector<1x4096xf32>
      tpu.vector_store %arg3[%swap3A_42, %swap3A_43], %add3A {strides = array<i32>} : memref<1x4096xf32, #tpu.memory_space<vmem>>, vector<1x4096xf32>,
      %get3A_45 = arith.constant 0 : index
      %get3A_46 = arith.constant 0 : index
      %get3A_47 = vector.load %arg4[%get3A_45, %get3A_46] : memref<1x128xf32, #tpu.memory_space<vmem>>, vector<1x128xf32>
      %eq3A_48 = arith.constant 0 : i32
      %eq3A_49 = vector.broadcast %eq3A_48 : i32 to vector<1x128xi32>
      %eq3A_50 = arith.cmpi eq, %iota3A, %eq3A_49 : vector<1x128xi32>
      %min3A = arith.minimumf %get3A_47, %select_n3A : vector<1x128xf32>
      %max3A = arith.maximumf %get3A_47, %select_n3A : vector<1x128xf32>
      %select_n3A_51 = arith.select %eq3A_50, %min3A, %max3A : vector<1x128xi1>, vector<1x128xf32>
      %swap3A_52 = arith.constant 0 : index
      %swap3A_53 = arith.constant 0 : index
      %swap3A_54 = vector.load %arg4[%swap3A_52, %swap3A_53] : memref<1x128xf32, #tpu.memory_space<vmem>>, vector<1x128xf32>
      tpu.vector_store %arg4[%swap3A_52, %swap3A_53], %select_n3A_51 {strides = array<i32>} : memref<1x128xf32, #tpu.memory_space<vmem>>, vector<1x128xf32>,
    } else {
    }
    %eq3A_34 = arith.constant 15 : i32
    %eq3A_35 = arith.cmpi eq, %arg0, %eq3A_34 : i32
    %convert_element_type3A_36 = arith.extui %eq3A_35 : i1 to i32
    %cond3A_37 = arith.constant 0 : i32
    %cond3A_38 = arith.cmpi ne, %convert_element_type3A_36, %cond3A_37 : i32
    scf.if %cond3A_38 {
      %get3A_39 = arith.constant 0 : index
      %get3A_40 = arith.constant 0 : index
      %get3A_41 = vector.load %arg3[%get3A_39, %get3A_40] : memref<1x4096xf32, #tpu.memory_space<vmem>>, vector<1x4096xf32>
      %mul3A_42 = arith.constant 2.44140625E-4 : f32
      %mul3A_43 = vector.broadcast %mul3A_42 : f32 to vector<1x4096xf32>
      %mul3A_44 = arith.mulf %get3A_41, %mul3A_43 : vector<1x4096xf32>
      %swap3A_45 = arith.constant 0 : index
      %swap3A_46 = arith.constant 0 : index
      %swap3A_47 = vector.load %arg3[%swap3A_45, %swap3A_46] : memref<1x4096xf32, #tpu.memory_space<vmem>>, vector<1x4096xf32>
      tpu.vector_store %arg3[%swap3A_45, %swap3A_46], %mul3A_44 {strides = array<i32>} : memref<1x4096xf32, #tpu.memory_space<vmem>>, vector<1x4096xf32>,
      %get3A_48 = arith.constant 0 : index
      %get3A_49 = arith.constant 0 : index
      %get3A_50 = vector.load %arg4[%get3A_48, %get3A_49] : memref<1x128xf32, #tpu.memory_space<vmem>>, vector<1x128xf32>
      %eq3A_51 = arith.constant 0 : i32
      %eq3A_52 = vector.broadcast %eq3A_51 : i32 to vector<1x128xi32>
      %eq3A_53 = arith.cmpi eq, %iota3A, %eq3A_52 : vector<1x128xi32>
      %jit3A = arith.constant 0x7F800000 : f32
      %broadcast_in_dim3A_54 = vector.broadcast %jit3A : f32 to vector<1x128xf32>
      %select_n3A_55 = arith.select %eq3A_53, %get3A_50, %broadcast_in_dim3A_54 : vector<1x128xi1>, vector<1x128xf32>
      %reduce_min3A_56 = vector.shape_cast %select_n3A_55 : vector<1x128xf32> to vector<1x1x128xf32>
      %reduce_min3A_57 = arith.constant dense<0x7F800000> : vector<1xf32>
      %reduce_min3A_58 = vector.multi_reduction <minimumf>, %reduce_min3A_56, %reduce_min3A_57 [1, 2] : vector<1x1x128xf32> to vector<1xf32>
      %reduce_min3A_59 = vector.shape_cast %reduce_min3A_58 : vector<1xf32> to vector<1x1x1xf32>
      %reduce_min3A_60 = vector.extract %reduce_min3A_59[0, 0, 0] : f32 from vector<1x1x1xf32>
      %eq3A_61 = arith.constant 0 : i32
      %eq3A_62 = vector.broadcast %eq3A_61 : i32 to vector<1x128xi32>
      %eq3A_63 = arith.cmpi eq, %iota3A, %eq3A_62 : vector<1x128xi32>
      %jit3A_64 = arith.constant 0xFF800000 : f32
      %broadcast_in_dim3A_65 = vector.broadcast %jit3A_64 : f32 to vector<1x128xf32>
      %select_n3A_66 = arith.select %eq3A_63, %broadcast_in_dim3A_65, %get3A_50 : vector<1x128xi1>, vector<1x128xf32>
      %reduce_max3A_67 = vector.shape_cast %select_n3A_66 : vector<1x128xf32> to vector<1x1x128xf32>
      %reduce_max3A_68 = arith.constant dense<0xFF800000> : vector<1xf32>
      %reduce_max3A_69 = vector.multi_reduction <maximumf>, %reduce_max3A_67, %reduce_max3A_68 [1, 2] : vector<1x1x128xf32> to vector<1xf32>
      %reduce_max3A_70 = vector.shape_cast %reduce_max3A_69 : vector<1xf32> to vector<1x1x1xf32>
      %reduce_max3A_71 = vector.extract %reduce_max3A_70[0, 0, 0] : f32 from vector<1x1x1xf32>
      %sub3A_72 = arith.subf %reduce_max3A_71, %reduce_min3A_60 : f32
      %div3A_73 = arith.constant 1.280000e+02 : f32
      %div3A_74 = arith.divf %sub3A_72, %div3A_73 : f32
      %div3A_75 = arith.constant 1.000000e+00 : f32
      %div3A_76 = arith.divf %div3A_75, %div3A_74 : f32
      %eq3A_77 = arith.constant 0 : i32
      %eq3A_78 = vector.broadcast %eq3A_77 : i32 to vector<1x128xi32>
      %eq3A_79 = arith.cmpi eq, %iota3A, %eq3A_78 : vector<1x128xi32>
      %eq3A_80 = arith.constant 1 : i32
      %eq3A_81 = vector.broadcast %eq3A_80 : i32 to vector<1x128xi32>
      %eq3A_82 = arith.cmpi eq, %iota3A, %eq3A_81 : vector<1x128xi32>
      %eq3A_83 = arith.constant 2 : i32
      %eq3A_84 = vector.broadcast %eq3A_83 : i32 to vector<1x128xi32>
      %eq3A_85 = arith.cmpi eq, %iota3A, %eq3A_84 : vector<1x128xi32>
      %broadcast_in_dim3A_86 = vector.broadcast %div3A_74 : f32 to vector<1x128xf32>
      %broadcast_in_dim3A_87 = vector.broadcast %reduce_max3A_71 : f32 to vector<1x128xf32>
      %select_n3A_88 = arith.select %eq3A_85, %broadcast_in_dim3A_86, %broadcast_in_dim3A_87 : vector<1x128xi1>, vector<1x128xf32>
      %broadcast_in_dim3A_89 = vector.broadcast %div3A_76 : f32 to vector<1x128xf32>
      %select_n3A_90 = arith.select %eq3A_82, %broadcast_in_dim3A_89, %select_n3A_88 : vector<1x128xi1>, vector<1x128xf32>
      %broadcast_in_dim3A_91 = vector.broadcast %reduce_min3A_60 : f32 to vector<1x128xf32>
      %select_n3A_92 = arith.select %eq3A_79, %broadcast_in_dim3A_91, %select_n3A_90 : vector<1x128xi1>, vector<1x128xf32>
      %swap3A_93 = arith.constant 0 : index
      %swap3A_94 = arith.constant 0 : index
      %swap3A_95 = vector.load %arg4[%swap3A_93, %swap3A_94] : memref<1x128xf32, #tpu.memory_space<vmem>>, vector<1x128xf32>
      tpu.vector_store %arg4[%swap3A_93, %swap3A_94], %select_n3A_92 {strides = array<i32>} : memref<1x128xf32, #tpu.memory_space<vmem>>, vector<1x128xf32>,
    } else {
    }
    return
  }
  func.func @transform_0(%arg0: i32) -> (i32, i32) {
    %c0_i32 = arith.constant 0 : i32
    %c0_i32_0 = arith.constant 0 : i32
    return %arg0, %c0_i32 : i32, i32
  }
  func.func @transform_1(%arg0: i32) -> (i32, i32) {
    %c0_i32 = arith.constant 0 : i32
    %c0_i32_0 = arith.constant 0 : i32
    return %arg0, %c0_i32 : i32, i32
  }
  func.func @transform_2(%arg0: i32) -> (i32, i32) {
    %c0_i32 = arith.constant 0 : i32
    %c0_i32_0 = arith.constant 0 : i32
    %c0_i32_1 = arith.constant 0 : i32
    return %c0_i32, %c0_i32_0 : i32, i32
  }
  func.func @transform_3(%arg0: i32) -> (i32, i32) {
    %c0_i32 = arith.constant 0 : i32
    %c0_i32_0 = arith.constant 0 : i32
    %c0_i32_1 = arith.constant 0 : i32
    return %c0_i32, %c0_i32_0 : i32, i32
  }
}

</mosaic_0001>

<sc_bundles>
// kernel: kernel.5.cloned.1.call-start
scs
__scs_entry_jumppad:
0x0: {  	(pc) =	sbr.rel $0x88, $3  }
0x1: {  	(tag) =	ssettag $0x0;
	lr =	simm.s32 $0x1  }
0x2: {  	[smem:$0x3FA0] =	sst lr;
	_ =	strace $0xD0000000  }
0x3: {  	_ = 	snop  }
0x4: {  	_ = 	snop  }
0x5: {  	_ = 	snop  }
0x6: {  	_ = 	snop  }
0x7: {  	_ = 	snop  }
__scs_overlays_trampoline_lowered:
0x8: {  	[smem:$0x3FAF] =	sst s0  }
0x9: {  	[smem:$0x3FB0] =	sst s1  }
0xa: {  	[smem:$0x3FB1] =	sst s2  }
0xb: {  	[smem:$0x3FB2] =	sst s3  }
0xc: {  	[smem:$0x3FB3] =	sst s4  }
0xd: {  	[smem:$0x3FB4] =	sst s5  }
0xe: {  	[smem:$0x3FB5] =	sst s6  }
0xf: {  	[smem:$0x3FB6] =	sst s7  }
0x10: {  	[smem:$0x3FB7] =	sst s8  }
0x11: {  	[smem:$0x3FB8] =	sst s9;
	s0 =	simm.s32 @!p0 $0x0  }
0x12: {  	s1 =	sld [smem:$0x3F9E];
	s0 =	simm.s32 @p0 $0x1  }
0x13: {  	[smem:$0x3FB9] =	sst s0;
	s0 =	simm.s32 @!p1 $0x0  }
0x14: {  	s2 =	sld [smem:$0x3F9D];
	s0 =	simm.s32 @p1 $0x1  }
0x15: {  	[smem:$0x3FBA] =	sst s0;
	s0 =	simm.s32 @!p2 $0x0  }
0x16: {  	s3 =	sld [smem:$0x3FDB];
	s0 =	simm.s32 @p2 $0x1  }
0x17: {  	s4 =	simm.s32 $0x1BF5;
	[smem:$0x3FBC] =	sst s0  }
0x18: {  	s0 =	sld [smem:$0x3F9F];
	_ =	swait.ge [sflag:s4], $0x0  }
0x19: {  	s7 =	sld [smem:$0x3FA0]  }
0x1a: {  	s8 =	sadd.s32 $0xFFFFE003, lr  }
0x1b: {  	s9 =	sadd.s32 $0xFFFFFEF7, lr;
	s5 =	simm.s32 $0xFFFFFFFF;
	p2 =	slt.u32 s8, $0xFFFFF086  }
0x1c: {  	p1 =	slt.u32 s9, $0xF7A;
	s5 =	simm.s32 @!p2 $0x0  }
0x1d: {  	s5 =	simm.s32 @p1 $0x1;
	p0 =	seq.s32 s7, s2  }
0x1e: {  	s7 =	smul.u32 @!p0 $0xF7A, s2;
	p2 =	seq.s32 @!p0 s5, $0x0  }
0x1f: {  	s9 =	smul.u32 $0xF7A, s1;
	s8 =	simm.s32 @!p0 $0x1BF5;
	p2 =	por !p2, p0  }
0x20: {  	[sflag:s8] =	ssyncset.s32 @!p0 $0xFFFFF086;
	s6 =	sadd.s32 @!p0 s3, s7;
	s7 =	simm.s32 @!p0 $0x108  }
0x21: {  	s3 =	sadd.s32 s3, s9;
	s6 =	sadd.s32 @!p0 $0x88, s6;
	s7 =	simm.s32 @p2 $0x1082  }
0x22: {  	[simem:s7], [sflag:s8] =	dma.local @!p0 [hbm:s6], $0xF7A  }
0x23: {  	s9 =	sor.u32 $0xD0000000, s2;
	s6 =	simm.s32 $0x108;
	_ =	swait.ge @!p0 [sflag:s8], $0x0  }
0x24: {  	s3 =	sadd.s32 $0x88, s3;
	s6 =	simm.s32 @!p1 $0x1082;
	[sflag:s4] =	ssyncset.s32 $0xFFFFF086  }
0x25: {  	[simem:s6], [sflag:s4] =	dma.local [hbm:s3], $0xF7A  }
0x26: {  	[smem:$0x3FA0] =	sst s1;
	(tag) =	ssettag s2;
	_ =	strace s9  }
0x27: {  	s1 =	sld [smem:$0x3FB0]  }
0x28: {  	s2 =	sld [smem:$0x3FB1]  }
0x29: {  	s4 =	sld [smem:$0x3FB3]  }
0x2a: {  	p0 =	seq.s32 s5, $0x0;
	s5 =	sld [smem:$0x3FB4]  }
0x2b: {  	s6 =	sld [smem:$0x3FB5]  }
0x2c: {  	s7 =	sld [smem:$0x3FB6]  }
0x2d: {  	s3 =	simm.s32 $0x108;
	s8 =	sld [smem:$0x3FB7]  }
0x2e: {  	s3 =	simm.s32 @!p0 $0x1082;
	s9 =	sld [smem:$0x3FB8]  }
0x2f: {  	lr =	sadd.s32 s0, s3;
	s0 =	sld [smem:$0x3FAF]  }
0x30: {  	s3 =	sld [smem:$0x3FB2]  }
0x31: {  	[smem:$0x3FBB] =	sst s10  }
0x32: {  	s10 =	sld [smem:$0x3FB9];
	_ =	sdelay $0x3  }
0x33: {  	p0 =	seq.s32 s10, $0x1;
	s10 =	sld [smem:$0x3FBB];
	_ =	sdelay $0x3  }
0x34: {  	[smem:$0x3FBB] =	sst s10  }
0x35: {  	s10 =	sld [smem:$0x3FBA];
	_ =	sdelay $0x3  }
0x36: {  	p1 =	seq.s32 s10, $0x1;
	s10 =	sld [smem:$0x3FBB];
	_ =	sdelay $0x3  }
0x37: {  	[smem:$0x3FBB] =	sst s10  }
0x38: {  	s10 =	sld [smem:$0x3FBC]  }
0x39: {  	_ = 	snop;
	(pc) =	sbr.ind lr, $3  }
0x3a: {  	_ = 	snop  }
0x3b: {  	_ = 	snop  }
0x3c: {  	p2 =	seq.s32 s10, $0x1;
	s10 =	sld [smem:$0x3FBB]  }
0x3d: {  	_ =	shalt  }
0x3e: {  	_ =	shalt  }
0x3f: {  	_ =	shalt  }
0x40: {  	_ =	shalt  }
0x41: {  	_ =	shalt  }
0x42: {  	_ =	shalt  }
0x43: {  	_ =	shalt  }
0x44: {  	_ =	shalt  }
0x45: {  	_ =	shalt  }
0x46: {  	_ =	shalt  }
0x47: {  	_ =	shalt  }
0x48: {  	_ =	shalt  }
0x49: {  	_ =	shalt  }
0x4a: {  	_ =	shalt  }
0x4b: {  	_ =	shalt  }
0x4c: {  	_ =	shalt  }
0x4d: {  	_ =	shalt  }
0x4e: {  	_ =	shalt  }
0x4f: {  	_ =	shalt  }
0x50: {  	_ =	shalt  }
0x51: {  	_ =	shalt  }
0x52: {  	_ =	shalt  }
0x53: {  	_ =	shalt  }
0x54: {  	_ =	shalt  }
0x55: {  	_ =	shalt  }
0x56: {  	_ =	shalt  }
0x57: {  	_ =	shalt  }
0x58: {  	_ =	shalt  }
0x59: {  	_ =	shalt  }
0x5a: {  	_ =	shalt  }
0x5b: {  	_ =	shalt  }
0x5c: {  	_ =	shalt  }
0x5d: {  	_ =	shalt  }
0x5e: {  	_ =	shalt  }
0x5f: {  	_ =	shalt  }
0x60: {  	_ =	shalt  }
0x61: {  	_ =	shalt  }
0x62: {  	_ =	shalt  }
0x63: {  	_ =	shalt  }
0x64: {  	_ =	shalt  }
0x65: {  	_ =	shalt  }
0x66: {  	_ =	shalt  }
0x67: {  	_ =	shalt  }
0x68: {  	_ =	shalt  }
0x69: {  	_ =	shalt  }
0x6a: {  	_ =	shalt  }
0x6b: {  	_ =	shalt  }
0x6c: {  	_ =	shalt  }
0x6d: {  	_ =	shalt  }
0x6e: {  	_ =	shalt  }
0x6f: {  	_ =	shalt  }
0x70: {  	_ =	shalt  }
0x71: {  	_ =	shalt  }
0x72: {  	_ =	shalt  }
0x73: {  	_ =	shalt  }
0x74: {  	_ =	shalt  }
0x75: {  	_ =	shalt  }
0x76: {  	_ =	shalt  }
0x77: {  	_ =	shalt  }
0x78: {  	_ =	shalt  }
0x79: {  	_ =	shalt  }
0x7a: {  	_ =	shalt  }
0x7b: {  	_ =	shalt  }
0x7c: {  	_ =	shalt  }
0x7d: {  	_ =	shalt  }
0x7e: {  	_ =	shalt  }
0x7f: {  	_ =	shalt  }
0x80: {  	_ =	shalt  }
0x81: {  	_ =	shalt  }
0x82: {  	_ =	shalt  }
0x83: {  	_ =	shalt  }
0x84: {  	_ =	shalt  }
0x85: {  	_ =	shalt  }
0x86: {  	_ =	shalt  }
0x87: {  	_ =	shalt  }
.Lfunc_end0:
.L_simem_size_0:
called_computation_lowered:
.L_overlay_start_0:
0x88: {  	s2 =	sld [smem:$0x3FD9]  }
0x89: {  	s3 =	sld [smem:$0x3FFE];
	_ =	sdelay $0x1  }
0x8a: {  	s1 =	srdreg.scid  }
0x8b: {  	s0 =	sand.u32 $0x1, s1  }
0x8c: {  	s17 =	sshll.u32 s0, $0xA;
	s2 =	sadd.s32 s3, s2  }
0x8d: {  	s2 =	sadd.s32 s2, s17  }
0x8e: {  	[smem:$0x3FC7] =	sst s2  }
0x8f: {  	_ = 	snop  }
0x90: {  	s2 =	sld [smem:$0x3FD0];
	(tm) =	ssettm $0x1  }
0x91: {  	s18 =	sld [smem:$0x3FFB];
	_ =	sdelay $0x3  }
0x92: {  	_ =	strace s18  }
0x93: {  	s3 =	sld [smem:$0x3FFC];
	_ =	sdelay $0x3  }
0x94: {  	_ =	strace s3  }
0x95: {  	s3 =	sld [smem:$0x3FFD];
	_ =	sdelay $0x3  }
0x96: {  	_ =	strace s3  }
0x97: {  	_ =	strace $0x8FFFFFFF  }
0x98: {  	s19 =	sld [smem:$0x3FDB];
	_ =	sdelay $0x1  }
0x99: {  	s4 =	simm.s32 $_scs_section_size  }
0x9a: {  	s5 =	simm.s32 $_size__tile_overlayer_lowered;
	s6 =	simm.s32 $_tile_overlayer_lowered  }
0x9b: {  	s22 =	simm.s32 $0x1BFF;
	s21 =	sshll.u32 s6, $0x1;
	s3 =	sadd.s32 s4, s19  }
0x9c: {  	s7 =	simm.s32 $0x0;
	s20 =	sshll.u32 s5, $0x1;
	s5 =	sadd.s32 s21, s3  }
0x9d: {  	[timem:s7], [sflag:s22] =	dma.local [hbm:s5], s20  }
0x9e: {  	_ =	swait.ge [sflag:s22], s20  }
0x9f: {  	s4 =	ssub.s32 $0x0, s20;
	[sflag:s22] =	ssyncset.done $0x0  }
0xa0: {  	[sflag:s22] =	ssyncadd.s32 s4;
	_ =	sdelay $0x1  }
0xa1: {  	s23 =	simm.s32 $0x1B8B  }
0xa2: {  	_ =	swait.ge [sflag:s23], $0x1  }
0xa3: {  	[sflag:s23] =	ssyncset.done $0x0  }
0xa4: {  	s25 =	simm.s32 $0x1B8E;
	s24 =	sld [smem:$0x3FFE];
	[sflag:s23] =	ssyncadd.s32 $0xFFFFFFFF  }
0xa5: {  	s26 =	simm.s32 $execute0_lowered;
	[smem:$0x3FD2] =	sst s25  }
0xa6: {  	s5 =	sshll.u32 s26, $0x1;
	_ =	strace $0x80000046;
	[dreg:$0x1] =	wrdreg $0xFFFFFFFF  }
0xa7: {  	s28 =	simm.s32 $_size_execute0_lowered;
	s3 =	sadd.s32 s3, s5;
	[dreg:$0x0] =	wrdreg $0x0  }
0xa8: {  	s5 =	sshll.u32 s28, $0x1;
	[dreg:$0x2] =	wrdreg s3  }
0xa9: {  	[dreg:$0x3] =	wrdreg s5  }
0xaa: {  	[dreg:$0x4] =	wrdreg $0xC0  }
0xab: {  	_ =	task [dreg:s7], $0x5FFFF  }
0xac: {  	[dreg:$0x1] =	wrdreg $0xFFFFFFFF  }
0xad: {  	[dreg:$0x0] =	wrdreg $0x60  }
0xae: {  	[dreg:$0x2] =	wrdreg s24  }
0xaf: {  	[dreg:$0x3] =	wrdreg s2  }
0xb0: {  	[dreg:$0x4] =	wrdreg $0x9  }
0xb1: {  	_ =	task.clear_ibuf [dreg:s7], $0x5FFFF;
	_ =	strace $0x90000046  }
0xb2: {  	s29 =	simm.s32 $0x9;
	_ =	strace $0x80000048  }
0xb3: {  	_ =	swait.ge [sflag:s29], $0x1  }
0xb4: {  	[sflag:s29] =	ssyncadd.s32 $0xFFFFFFFF  }
0xb5: {  	_ =	strace $0x90000048  }
0xb6: {  	_ =	sfence  }
0xb7: {  	s30 =	sld [smem:$0x0];
	_ =	sdelay $0x2  }
0xb8: {  	s31 =	sshll.u32 s1, $0xD;
	s1 =	sshrl.u32 s1, $0x2  }
0xb9: {  	s3 =	sand.u32 $0x4000, s31;
	s1 =	sadd.s32 s1, s30  }
0xba: {  	s0 =	sor.u32 s3, s0;
	s1 =	sshll.u32 s1, $0x11  }
0xbb: {  	s0 =	sor.u32 s1, s0  }
0xbc: {  	s0 =	sadd.s32 $0x8F2B, s0  }
0xbd: {  	[sflag:s0] =	ssyncadd.remote.s32 $0x1  }
0xbe: {  	_ =	sfence.sel $0xFFFF  }
0xbf: {  	[dreg:$0x0] =	wrdreg $0xFFFFFFFF;
	(pc) =	sbr.abs _section_cstart, $3  }
0xc0: {  	[dreg:$0x1] =	wrdreg $0xFFFFFFFF  }
0xc1: {  	_ =	task.clear_ibuf [dreg:s7], $0x2FFFF;
	_ =	strace $0x9FFFFFFF  }
0xc2: {  	(tm) =	ssettm $0x7FFFFFFF  }
0xc3: {  	_ =	shalt  }
tec
execute0_lowered:
.L_overlay_start_1:
0x0: {  	(tag) =	ssettag $0x1  }
0x1: {  	v0 =	vimm.f32 $1.258487800e+07  }
0x2: {  	vm11 =	vcmask $0x300;
	vm8 =	vcmask $0x704;
	vm6 =	vcmask $0xB08  }
0x3: {  	vm3 =	vcmask $0xF0C;
	vm2 =	vcmask $0x1310;
	vm0 =	vcmask $0x1714  }
0x4: {  	vm1 =	vcmask $0x1B18;
	vm4 =	vcmask $0x1F1C;
	vm9 =	vcmask $0x2320  }
0x5: {  	vm13 =	vcmask $0x2724;
	vm14 =	vcmask $0x2B28;
	vm12 =	vcmask $0x2F2C  }
0x6: {  	vm10 =	vcmask $0x3330;
	vm5 =	vcmask $0x3734;
	s8 =	simm.s32 $0x18380;
	vm7 =	vcmask $0x3B38;
	s9 =	simm.s32 $0x8000  }
0x7: {  	v1 =	vimm.f32 $1.258697400e+07;
	v2 =	vimm.f32 $1.258907000e+07;
	v3 =	vimm.f32 $1.259116600e+07  }
0x8: {  	v4 =	vimm.f32 $1.259326200e+07;
	v5 =	vimm.f32 $1.259535800e+07;
	v6 =	vimm.f32 $1.259745400e+07  }
0x9: {  	v7 =	vimm.f32 $1.259955000e+07;
	v8 =	vimm.f32 $1.260164600e+07;
	v9 =	vimm.f32 $1.260374200e+07  }
0xa: {  	v10 =	vimm.f32 $1.260583800e+07;
	v11 =	vimm.f32 $1.260793400e+07;
	v12 =	vimm.f32 $1.261003000e+07  }
0xb: {  	s2 =	simm.s32 $0x0;
	v13 =	vimm.f32 $1.261212600e+07;
	v14 =	vimm.f32 $1.261422200e+07;
	v15 =	vimm.f32 $1.261631800e+07  }
0xc: {  	s10 =	simm.s32 $0x10000;
	v0 =	vsel vm11, $0x4B400001, v0;
	[smem:$0x7FF] =	sst s2;
	v1 =	vsel vm11, $0x4B400831, v1  }
0xd: {  	v2 =	vsel vm11, $0x4B401061, v2;
	v3 =	vsel vm11, $0x4B401891, v3;
	v4 =	vsel vm11, $0x4B4020C1, v4  }
0xe: {  	v5 =	vsel vm11, $0x4B4028F1, v5;
	v6 =	vsel vm11, $0x4B403121, v6;
	v7 =	vsel vm11, $0x4B403951, v7  }
0xf: {  	v8 =	vsel vm11, $0x4B404181, v8;
	v9 =	vsel vm11, $0x4B4049B1, v9;
	v10 =	vsel vm11, $0x4B4051E1, v10  }
0x10: {  	s3 =	rddreg [dreg:$0x0];
	v11 =	vsel vm11, $0x4B405A11, v11;
	v12 =	vsel vm11, $0x4B406241, v12;
	v13 =	vsel vm11, $0x4B406A71, v13  }
0x11: {  	s1 =	srdreg.scid;
	s11 =	rddreg [dreg:$0x1];
	v14 =	vsel vm11, $0x4B4072A1, v14;
	v15 =	vsel vm11, $0x4B407AD1, v15;
	v0 =	vsel vm8, $0x4B400084, v0  }
0x12: {  	s12 =	sand.u32 $0x1, s1;
	s1 =	rddreg [dreg:$0x2];
	_ =	strace $0x80000047;
	v1 =	vsel vm8, $0x4B4008B4, v1;
	v2 =	vsel vm8, $0x4B4010E4, v2  }
0x13: {  	v3 =	vsel vm8, $0x4B401914, v3;
	v4 =	vsel vm8, $0x4B402144, v4;
	v5 =	vsel vm8, $0x4B402974, v5  }
0x14: {  	v6 =	vsel vm8, $0x4B4031A4, v6;
	v7 =	vsel vm8, $0x4B4039D4, v7;
	v8 =	vsel vm8, $0x4B404204, v8  }
0x15: {  	v9 =	vsel vm8, $0x4B404A34, v9;
	v10 =	vsel vm8, $0x4B405264, v10;
	v11 =	vsel vm8, $0x4B405A94, v11  }
0x16: {  	v12 =	vsel vm8, $0x4B4062C4, v12;
	v13 =	vsel vm8, $0x4B406AF4, v13;
	v14 =	vsel vm8, $0x4B407324, v14  }
0x17: {  	v15 =	vsel vm8, $0x4B407B54, v15;
	v0 =	vsel vm6, $0x4B400107, v0;
	v1 =	vsel vm6, $0x4B400937, v1  }
0x18: {  	v2 =	vsel vm6, $0x4B401167, v2;
	v3 =	vsel vm6, $0x4B401997, v3;
	v4 =	vsel vm6, $0x4B4021C7, v4  }
0x19: {  	v5 =	vsel vm6, $0x4B4029F7, v5;
	v6 =	vsel vm6, $0x4B403227, v6;
	v7 =	vsel vm6, $0x4B403A57, v7  }
0x1a: {  	s0 =	stileid.u32;
	v8 =	vsel vm6, $0x4B404287, v8;
	v9 =	vsel vm6, $0x4B404AB7, v9;
	v10 =	vsel vm6, $0x4B4052E7, v10  }
0x1b: {  	s4 =	sshll.u32 s0, $0x8;
	s5 =	sshll.u32 s12, $0x7;
	v11 =	vsel vm6, $0x4B405B17, v11;
	v12 =	vsel vm6, $0x4B406347, v12;
	v13 =	vsel vm6, $0x4B406B77, v13  }
0x1c: {  	s13 =	sor.u32 s5, s4;
	v14 =	vsel vm6, $0x4B4073A7, v14;
	v15 =	vsel vm6, $0x4B407BD7, v15;
	v0 =	vsel vm3, $0x4B40018A, v0  }
0x1d: {  	s16 =	simm.s32 $0x18300;
	s4 =	sshll.u32 s13, $0x9;
	v1 =	vsel vm3, $0x4B4009BA, v1;
	v2 =	vsel vm3, $0x4B4011EA, v2  }
0x1e: {  	v3 =	vsel vm3, $0x4B401A1A, v3;
	v4 =	vsel vm3, $0x4B40224A, v4;
	v5 =	vsel vm3, $0x4B402A7A, v5  }
0x1f: {  	v6 =	vsel vm3, $0x4B4032AA, v6;
	v7 =	vsel vm3, $0x4B403ADA, v7;
	v8 =	vsel vm3, $0x4B40430A, v8  }
0x20: {  	v9 =	vsel vm3, $0x4B404B3A, v9;
	v10 =	vsel vm3, $0x4B40536A, v10;
	v11 =	vsel vm3, $0x4B405B9A, v11  }
0x21: {  	v12 =	vsel vm3, $0x4B4063CA, v12;
	v13 =	vsel vm3, $0x4B406BFA, v13;
	v14 =	vsel vm3, $0x4B40742A, v14  }
0x22: {  	v15 =	vsel vm3, $0x4B407C5A, v15;
	v0 =	vsel vm2, $0x4B40020D, v0;
	s7 =	sadd.s32 s4, s3;
	s3 =	sadd.s32 $0x200A00, s3  }
0x23: {  	v1 =	vsel vm2, $0x4B400A3D, v1;
	v2 =	vsel vm2, $0x4B40126D, v2;
	v3 =	vsel vm2, $0x4B401A9D, v3  }
0x24: {  	v4 =	vsel vm2, $0x4B4022CD, v4;
	v5 =	vsel vm2, $0x4B402AFD, v5;
	v6 =	vsel vm2, $0x4B40332D, v6  }
0x25: {  	v7 =	vsel vm2, $0x4B403B5D, v7;
	v8 =	vsel vm2, $0x4B40438D, v8;
	v9 =	vsel vm2, $0x4B404BBD, v9  }
0x26: {  	v10 =	vsel vm2, $0x4B4053ED, v10;
	v11 =	vsel vm2, $0x4B405C1D, v11;
	v12 =	vsel vm2, $0x4B40644D, v12  }
0x27: {  	v13 =	vsel vm2, $0x4B406C7D, v13;
	v14 =	vsel vm2, $0x4B4074AD, v14;
	v15 =	vsel vm2, $0x4B407CDD, v15  }
0x28: {  	v0 =	vsel vm0, $0x4B400290, v0;
	s4 =	sadd.s32 $0xA00, s7;
	s5 =	sadd.s32 $0x1A00, s7;
	v1 =	vsel vm0, $0x4B400AC0, v1  }
0x29: {  	v2 =	vsel vm0, $0x4B4012F0, v2;
	v3 =	vsel vm0, $0x4B401B20, v3;
	v4 =	vsel vm0, $0x4B402350, v4  }
0x2a: {  	v5 =	vsel vm0, $0x4B402B80, v5;
	v6 =	vsel vm0, $0x4B4033B0, v6;
	v7 =	vsel vm0, $0x4B403BE0, v7  }
0x2b: {  	v8 =	vsel vm0, $0x4B404410, v8;
	v9 =	vsel vm0, $0x4B404C40, v9;
	v10 =	vsel vm0, $0x4B405470, v10  }
0x2c: {  	v11 =	vsel vm0, $0x4B405CA0, v11;
	v12 =	vsel vm0, $0x4B4064D0, v12;
	v13 =	vsel vm0, $0x4B406D00, v13  }
0x2d: {  	v14 =	vsel vm0, $0x4B407530, v14;
	v15 =	vsel vm0, $0x4B407D60, v15;
	v0 =	vsel vm1, $0x4B400313, v0  }
0x2e: {  	v1 =	vsel vm1, $0x4B400B43, v1;
	v2 =	vsel vm1, $0x4B401373, v2;
	v3 =	vsel vm1, $0x4B401BA3, v3  }
0x2f: {  	v4 =	vsel vm1, $0x4B4023D3, v4;
	v5 =	vsel vm1, $0x4B402C03, v5;
	v6 =	vsel vm1, $0x4B403433, v6  }
0x30: {  	v7 =	vsel vm1, $0x4B403C63, v7;
	v8 =	vsel vm1, $0x4B404493, v8;
	v9 =	vsel vm1, $0x4B404CC3, v9  }
0x31: {  	v10 =	vsel vm1, $0x4B4054F3, v10;
	v11 =	vsel vm1, $0x4B405D23, v11;
	v12 =	vsel vm1, $0x4B406553, v12  }
0x32: {  	v13 =	vsel vm1, $0x4B406D83, v13;
	v14 =	vsel vm1, $0x4B4075B3, v14;
	v15 =	vsel vm1, $0x4B407DE3, v15  }
0x33: {  	v0 =	vsel vm4, $0x4B400396, v0;
	v1 =	vsel vm4, $0x4B400BC6, v1;
	v2 =	vsel vm4, $0x4B4013F6, v2  }
0x34: {  	v3 =	vsel vm4, $0x4B401C26, v3;
	v4 =	vsel vm4, $0x4B402456, v4;
	v5 =	vsel vm4, $0x4B402C86, v5  }
0x35: {  	v6 =	vsel vm4, $0x4B4034B6, v6;
	v7 =	vsel vm4, $0x4B403CE6, v7;
	v8 =	vsel vm4, $0x4B404516, v8  }
0x36: {  	v9 =	vsel vm4, $0x4B404D46, v9;
	v10 =	vsel vm4, $0x4B405576, v10;
	v11 =	vsel vm4, $0x4B405DA6, v11  }
0x37: {  	v12 =	vsel vm4, $0x4B4065D6, v12;
	v13 =	vsel vm4, $0x4B406E06, v13;
	v14 =	vsel vm4, $0x4B407636, v14  }
0x38: {  	v15 =	vsel vm4, $0x4B407E66, v15;
	v0 =	vsel vm9, $0x4B400419, v0;
	v1 =	vsel vm9, $0x4B400C49, v1  }
0x39: {  	v2 =	vsel vm9, $0x4B401479, v2;
	v3 =	vsel vm9, $0x4B401CA9, v3;
	v4 =	vsel vm9, $0x4B4024D9, v4  }
0x3a: {  	v5 =	vsel vm9, $0x4B402D09, v5;
	v6 =	vsel vm9, $0x4B403539, v6;
	v7 =	vsel vm9, $0x4B403D69, v7  }
0x3b: {  	v8 =	vsel vm9, $0x4B404599, v8;
	v9 =	vsel vm9, $0x4B404DC9, v9;
	v10 =	vsel vm9, $0x4B4055F9, v10  }
0x3c: {  	v11 =	vsel vm9, $0x4B405E29, v11;
	v12 =	vsel vm9, $0x4B406659, v12;
	v13 =	vsel vm9, $0x4B406E89, v13  }
0x3d: {  	v14 =	vsel vm9, $0x4B4076B9, v14;
	v15 =	vsel vm9, $0x4B407EE9, v15;
	v0 =	vsel vm13, $0x4B40049C, v0  }
0x3e: {  	v1 =	vsel vm13, $0x4B400CCC, v1;
	v2 =	vsel vm13, $0x4B4014FC, v2;
	v3 =	vsel vm13, $0x4B401D2C, v3  }
0x3f: {  	v4 =	vsel vm13, $0x4B40255C, v4;
	v5 =	vsel vm13, $0x4B402D8C, v5;
	v6 =	vsel vm13, $0x4B4035BC, v6  }
0x40: {  	v7 =	vsel vm13, $0x4B403DEC, v7;
	v8 =	vsel vm13, $0x4B40461C, v8;
	v9 =	vsel vm13, $0x4B404E4C, v9  }
0x41: {  	v10 =	vsel vm13, $0x4B40567C, v10;
	v11 =	vsel vm13, $0x4B405EAC, v11;
	v12 =	vsel vm13, $0x4B4066DC, v12  }
0x42: {  	v13 =	vsel vm13, $0x4B406F0C, v13;
	v14 =	vsel vm13, $0x4B40773C, v14;
	v15 =	vsel vm13, $0x4B407F6C, v15  }
0x43: {  	v0 =	vsel vm14, $0x4B40051F, v0;
	v1 =	vsel vm14, $0x4B400D4F, v1;
	v2 =	vsel vm14, $0x4B40157F, v2  }
0x44: {  	v3 =	vsel vm14, $0x4B401DAF, v3;
	v4 =	vsel vm14, $0x4B4025DF, v4;
	v5 =	vsel vm14, $0x4B402E0F, v5  }
0x45: {  	v6 =	vsel vm14, $0x4B40363F, v6;
	v7 =	vsel vm14, $0x4B403E6F, v7;
	v8 =	vsel vm14, $0x4B40469F, v8  }
0x46: {  	v9 =	vsel vm14, $0x4B404ECF, v9;
	v10 =	vsel vm14, $0x4B4056FF, v10;
	v11 =	vsel vm14, $0x4B405F2F, v11  }
0x47: {  	v12 =	vsel vm14, $0x4B40675F, v12;
	v13 =	vsel vm14, $0x4B406F8F, v13;
	v14 =	vsel vm14, $0x4B4077BF, v14  }
0x48: {  	v15 =	vsel vm14, $0x4B407FEF, v15;
	v0 =	vsel vm12, $0x4B4005A2, v0;
	v1 =	vsel vm12, $0x4B400DD2, v1  }
0x49: {  	v2 =	vsel vm12, $0x4B401602, v2;
	v3 =	vsel vm12, $0x4B401E32, v3;
	v4 =	vsel vm12, $0x4B402662, v4  }
0x4a: {  	v5 =	vsel vm12, $0x4B402E92, v5;
	v6 =	vsel vm12, $0x4B4036C2, v6;
	v7 =	vsel vm12, $0x4B403EF2, v7  }
0x4b: {  	v8 =	vsel vm12, $0x4B404722, v8;
	v9 =	vsel vm12, $0x4B404F52, v9;
	v10 =	vsel vm12, $0x4B405782, v10  }
0x4c: {  	v11 =	vsel vm12, $0x4B405FB2, v11;
	v12 =	vsel vm12, $0x4B4067E2, v12;
	v13 =	vsel vm12, $0x4B407012, v13  }
0x4d: {  	v14 =	vsel vm12, $0x4B407842, v14;
	v15 =	vsel vm12, $0x4B408072, v15;
	v0 =	vsel vm10, $0x4B400625, v0  }
0x4e: {  	v1 =	vsel vm10, $0x4B400E55, v1;
	v2 =	vsel vm10, $0x4B401685, v2;
	v3 =	vsel vm10, $0x4B401EB5, v3  }
0x4f: {  	v4 =	vsel vm10, $0x4B4026E5, v4;
	v5 =	vsel vm10, $0x4B402F15, v5;
	v6 =	vsel vm10, $0x4B403745, v6  }
0x50: {  	v7 =	vsel vm10, $0x4B403F75, v7;
	v8 =	vsel vm10, $0x4B4047A5, v8;
	v9 =	vsel vm10, $0x4B404FD5, v9  }
0x51: {  	v10 =	vsel vm10, $0x4B405805, v10;
	v11 =	vsel vm10, $0x4B406035, v11;
	v12 =	vsel vm10, $0x4B406865, v12  }
0x52: {  	v13 =	vsel vm10, $0x4B407095, v13;
	v14 =	vsel vm10, $0x4B4078C5, v14;
	v15 =	vsel vm10, $0x4B4080F5, v15  }
0x53: {  	v0 =	vsel vm5, $0x4B4006A8, v0;
	v1 =	vsel vm5, $0x4B400ED8, v1;
	v2 =	vsel vm5, $0x4B401708, v2  }
0x54: {  	v3 =	vsel vm5, $0x4B401F38, v3;
	v4 =	vsel vm5, $0x4B402768, v4;
	v5 =	vsel vm5, $0x4B402F98, v5  }
0x55: {  	v6 =	vsel vm5, $0x4B4037C8, v6;
	v7 =	vsel vm5, $0x4B403FF8, v7;
	v8 =	vsel vm5, $0x4B404828, v8  }
0x56: {  	v9 =	vsel vm5, $0x4B405058, v9;
	v10 =	vsel vm5, $0x4B405888, v10;
	v11 =	vsel vm5, $0x4B4060B8, v11  }
0x57: {  	v12 =	vsel vm5, $0x4B4068E8, v12;
	v13 =	vsel vm5, $0x4B407118, v13;
	v16 =	vsel vm5, $0x4B407948, v14  }
0x58: {  	s6 =	sadd.s32 $0x2A00, s7;
	s7 =	sadd.s32 $0x3A00, s7;
	v17 =	vsel vm5, $0x4B408178, v15;
	v14 =	vimm.f32 $0.0e+00;
	v0 =	vsel vm7, $0x4B40072B, v0  }
0x59: {  	v1 =	vsel vm7, $0x4B400F5B, v1;
	v2 =	vsel vm7, $0x4B40178B, v2;
	v3 =	vsel vm7, $0x4B401FBB, v3  }
0x5a: {  	s12 =	ssub.s32 $0x2, s12;
	v4 =	vsel vm7, $0x4B4027EB, v4;
	v5 =	vsel vm7, $0x4B40301B, v5;
	v6 =	vsel vm7, $0x4B40384B, v6  }
0x5b: {  	s15 =	simm.s32 $0x2;
	s17 =	simm.s32 $0x0;
	s14 =	sshrl.u32 s12, $0x1;
	v7 =	vsel vm7, $0x4B40407B, v7;
	v8 =	vsel vm7, $0x4B4048AB, v8;
	v9 =	vsel vm7, $0x4B4050DB, v9  }
0x5c: {  	s13 =	sshrl.u32 s13, $0x3;
	s12 =	ssub.s32 s12, s14;
	s14 =	simm.s32 $0x1;
	v10 =	vsel vm7, $0x4B40590B, v10;
	v11 =	vsel vm7, $0x4B40613B, v11;
	v12 =	vsel vm7, $0x4B40696B, v12  }
0x5d: {  	s11 =	sadd.s32 s11, s13;
	s12 =	smax.u32 s12, $0x1;
	s13 =	simm.s32 $0x3;
	v13 =	vsel vm7, $0x4B40719B, v13;
	v15 =	vsel vm7, $0x4B4079CB, v16;
	v16 =	vsel vm7, $0x4B4081FB, v17  }
.LBB2_1:
0x5e: {  	[tilespmem:s8], [sflag:$0x3] =	stream.linear.gather [hbm4b:s3+s2], $0x10, $0x38;
	[tilespmem:$0x18400] =	vst v63  }
0x5f: {  	_ =	swait.ge [sflag:s13], $0x10  }
0x60: {  	[sflag:s13] =	ssyncset.done $0x0  }
0x61: {  	[sflag:s13] =	ssyncadd.s32 $0xFFFFFFF0  }
0x62: {  	s18 =	simm.s32 $0x40;
	s19 =	simm.s32 $0x0;
	v17 =	vld [tilespmem:$0x18380]  }
.LBB2_2:
0x63: {  	p0 =	sne.s32 s18, $0x20BC0;
	[tilespmem:s19+$0x10000] =	vst v14;
	s19 =	smov.u32 s18;
	s18 =	sadd.s32 $0x40, s18  }
.Ltmp0:
0x64: {  	(pc) =	sbr.rel @p0 .LBB2_2-.Ltmp0, $2  }
0x65: {  	_ =	sdelay $0x2  }
0x66: {  	s19 =	sshra.s32 s19, $0x2  }
0x67: {  	(v2sf) =	vpush v17, $0x0  }
0x68: {  	(v2sf) =	vpush v17, $0x1;
	_ =	sdelay $0xd  }
0x69: {  	s18 =	spop (v2sf)  }
0x6a: {  	s20 =	spop (v2sf)  }
0x6b: {  	[tilespmem:s19+$0x10000] =	vst v14;
	s31 =	smul.f32 s20, s18;
	s18 =	simm.s32 $0x0  }
0x6c: {  	[tilespmem:s18], [sflag:$0x1] =	stream.linear.gather [hbm4b:s4+s18], $0x8000, $0x38;
	[tilespmem:$0x18400] =	vst v63  }
0x6d: {  	s19 =	sadd.f32 $5.000000000e-01, s31  }
0x6e: {  	[tilespmem:s9], [sflag:$0x2] =	stream.linear.gather [hbm4b:s5+s18], $0x8000, $0x38;
	[tilespmem:$0x18400] =	vst v63  }
0x6f: {  	v17 =	vbroadcast v17, $0x1;
	v18 =	vmov s19;
	s19 =	simm.s32 $0x0  }
.LBB2_4:
0x70: {  	_ =	swait.ge [sflag:s14], $0x8000;
	s20 =	simm.s32 $0x0  }
0x71: {  	s21 =	sand.u32 $0x380, s18;
	[sflag:s14] =	ssyncset.done $0x0;
	s20 =	sand.u32 $0x7800, s20  }
0x72: {  	[sflag:s14] =	ssyncadd.s32 $0xFFFF8000;
	s20 =	sor.u32 s21, s20  }
0x73: {  	v20 =	vld [tilespmem:s20+$0x0]  }
0x74: {  	v21 =	vld [tilespmem:s20+$0x10]  }
0x75: {  	v22 =	vld [tilespmem:s20+$0x20]  }
0x76: {  	v23 =	vld [tilespmem:s20+$0x30]  }
0x77: {  	v24 =	vld [tilespmem:s20+$0x40]  }
0x78: {  	v19 =	vld [tilespmem:s20+$0x470]  }
0x79: {  	v31 =	vld [tilespmem:s20+$0x420]  }
0x7a: {  	v28 =	vld [tilespmem:s20+$0x60]  }
0x7b: {  	v38 =	vld [tilespmem:s20+$0x410];
	v25 =	vmul.f32 v20, v17  }
0x7c: {  	v34 =	vld [tilespmem:s20+$0x460]  }
0x7d: {  	v32 =	vld [tilespmem:s20+$0x50];
	v26 =	vmul.f32 v21, v17;
	v25 =	vsub.f32 v25, v18  }
0x7e: {  	v36 =	vld [tilespmem:s20+$0x450];
	v27 =	vmul.f32 v22, v17  }
0x7f: {  	v37 =	vld [tilespmem:s20+$0x440];
	v26 =	vsub.f32 v26, v18;
	v25 =	vadd.f32 v0, v25  }
0x80: {  	v39 =	vld [tilespmem:s20+$0x430];
	v27 =	vsub.f32 v27, v18  }
0x81: {  	v40 =	vld [tilespmem:s20+$0x400];
	v29 =	vmul.f32 v23, v17;
	v26 =	vadd.f32 v1, v26;
	v25 =	vadd.s32 $0xB4C00000, v25  }
0x82: {  	s31 =	simm.s32 $0x800;
	v41 =	vld [tilespmem:s20+$0x70];
	s20 =	simm.s32 $0x8;
	v30 =	vmul.f32 v24, v17;
	v27 =	vadd.f32 v2, v27  }
0x83: {  	s21 =	sand.u32 $0x7800, s31;
	s22 =	sand.u32 $0x380, s20;
	v29 =	vsub.f32 v29, v18;
	v26 =	vadd.s32 $0xB4C00000, v26  }
0x84: {  	s21 =	sor.u32 s22, s21;
	v30 =	vsub.f32 v30, v18;
	v27 =	vadd.s32 $0xB4C00000, v27  }
0x85: {  	v45 =	vld [tilespmem:s21+$0x0];
	v33 =	vmul.f32 v28, v17;
	v42 =	vmul.f32 v31, v17;
	v29 =	vadd.f32 v3, v29  }
0x86: {  	v35 =	vmul.f32 v32, v17;
	v30 =	vadd.f32 v4, v30;
	[tilespmem:v25+s10+$0x0] =	vst.idx.add.f32.msk $0xffff, v20  }
0x87: {  	v43 =	vmul.f32 v38, v17;
	v29 =	vadd.s32 $0xB4C00000, v29;
	v25 =	vsub.f32 v42, v18;
	v42 =	vld [tilespmem:s21+$0x10]  }
0x88: {  	v30 =	vadd.s32 $0xB4C00000, v30;
	v20 =	vsub.f32 v33, v18;
	[tilespmem:v26+s10+$0x0] =	vst.idx.add.f32.msk $0xffff, v21  }
0x89: {  	v21 =	vsub.f32 v35, v18;
	v26 =	vsub.f32 v43, v18;
	[tilespmem:v27+s10+$0x0] =	vst.idx.add.f32.msk $0xffff, v22  }
0x8a: {  	v43 =	vld [tilespmem:s21+$0x20];
	v20 =	vadd.f32 v6, v20;
	v22 =	vmul.f32 v37, v17;
	v27 =	vmul.f32 v41, v17  }
0x8b: {  	v35 =	vld [tilespmem:s21+$0x70];
	v48 =	vadd.f32 v10, v25;
	v25 =	vmul.f32 v34, v17;
	v21 =	vadd.f32 v5, v21  }
0x8c: {  	[tilespmem:v29+s10+$0x0] =	vst.idx.add.f32.msk $0xffff, v23;
	v23 =	vmul.f32 v39, v17;
	v60 =	vadd.f32 v9, v26  }
0x8d: {  	[tilespmem:v30+s10+$0x0] =	vst.idx.add.f32.msk $0xffff, v24;
	v24 =	vmul.f32 v40, v17;
	v27 =	vsub.f32 v27, v18;
	v21 =	vadd.s32 $0xB4C00000, v21  }
0x8e: {  	v26 =	vadd.s32 $0xB4C00000, v20;
	v20 =	vld [tilespmem:s21+$0x30];
	v30 =	vsub.f32 v22, v18;
	v62 =	vsub.f32 v25, v18  }
0x8f: {  	v22 =	vld [tilespmem:s21+$0x40];
	v23 =	vsub.f32 v23, v18;
	v46 =	vadd.f32 v7, v27;
	v27 =	vmul.f32 v42, v17  }
0x90: {  	v29 =	vmul.f32 v36, v17;
	v25 =	vld [tilespmem:s21+$0x410];
	v24 =	vsub.f32 v24, v18;
	v47 =	vadd.f32 v12, v30  }
0x91: {  	v44 =	vadd.f32 v11, v23;
	v23 =	vmul.f32 v19, v17;
	v52 =	vsub.f32 v27, v18;
	v27 =	vld [tilespmem:s21+$0x450]  }
0x92: {  	v56 =	vadd.f32 v15, v62;
	v61 =	vadd.f32 v8, v24;
	[tilespmem:v21+s10+$0x0] =	vst.idx.add.f32.msk $0xffff, v32  }
0x93: {  	v24 =	vsub.f32 v29, v18;
	v21 =	vsub.f32 v23, v18;
	v23 =	vld [tilespmem:s21+$0x60]  }
0x94: {  	v46 =	vadd.s32 $0xB4C00000, v46;
	v30 =	vmul.f32 v22, v17;
	v51 =	vmul.f32 v20, v17;
	v32 =	vld [tilespmem:s21+$0x400]  }
0x95: {  	v54 =	vadd.s32 $0xB4C00000, v61;
	v52 =	vadd.f32 v1, v52;
	[tilespmem:v26+s10+$0x0] =	vst.idx.add.f32.msk $0xffff, v28;
	v26 =	vmul.f32 v43, v17  }
0x96: {  	v28 =	vmul.f32 v45, v17;
	v30 =	vsub.f32 v30, v18;
	v50 =	vadd.f32 v16, v21;
	v21 =	vld [tilespmem:s21+$0x420]  }
0x97: {  	v60 =	vadd.s32 $0xB4C00000, v60;
	v63 =	vsub.f32 v51, v18;
	v29 =	vsub.f32 v26, v18;
	v26 =	vld [tilespmem:s21+$0x460]  }
0x98: {  	v59 =	vmul.f32 v25, v17;
	v28 =	vsub.f32 v28, v18;
	v51 =	vadd.f32 v4, v30;
	v30 =	vld [tilespmem:s21+$0x430]  }
0x99: {  	v44 =	vadd.s32 $0xB4C00000, v44;
	v49 =	vadd.f32 v13, v24;
	[tilespmem:v46+s10+$0x0] =	vst.idx.add.f32.msk $0xffff, v41;
	v46 =	vadd.s32 $0xB4C00000, v48  }
0x9a: {  	v52 =	vadd.s32 $0xB4C00000, v52;
	v53 =	vadd.f32 v2, v29;
	v29 =	vld [tilespmem:s21+$0x440];
	v28 =	vadd.f32 v0, v28  }
0x9b: {  	v49 =	vadd.s32 $0xB4C00000, v49;
	v58 =	vadd.f32 v3, v63;
	v57 =	vmul.f32 v23, v17;
	[tilespmem:v54+s10+$0x0] =	vst.idx.add.f32.msk $0xffff, v40  }
0x9c: {  	[tilespmem:v60+s10+$0x0] =	vst.idx.add.f32.msk $0xffff, v38;
	v60 =	vmul.f32 v35, v17;
	v55 =	vmul.f32 v21, v17;
	v61 =	vadd.s32 $0xB4C00000, v28  }
0x9d: {  	v33 =	vld [tilespmem:s21+$0x50];
	v28 =	vsub.f32 v57, v18;
	v57 =	vsub.f32 v59, v18;
	v59 =	vmul.f32 v27, v17  }
0x9e: {  	v53 =	vadd.s32 $0xB4C00000, v53;
	v41 =	vmul.f32 v30, v17;
	v38 =	vsub.f32 v60, v18;
	[tilespmem:v46+s10+$0x0] =	vst.idx.add.f32.msk $0xffff, v31  }
0x9f: {  	v55 =	vsub.f32 v55, v18;
	v62 =	vadd.f32 v6, v28;
	v63 =	vmul.f32 v29, v17  }
0xa0: {  	v54 =	vadd.s32 $0xB4C00000, v47;
	v28 =	vadd.f32 v9, v57;
	v57 =	vmul.f32 v32, v17;
	[tilespmem:v44+s10+$0x0] =	vst.idx.add.f32.msk $0xffff, v39  }
0xa1: {  	v24 =	vld [tilespmem:s21+$0x470];
	v44 =	vmul.f32 v26, v17;
	v41 =	vsub.f32 v41, v18;
	v48 =	vsub.f32 v63, v18  }
0xa2: {  	[tilespmem:v61+s10+$0x0] =	vst.idx.add.f32.msk $0xffff, v45;
	v61 =	vmul.f32 v33, v17;
	v63 =	vsub.f32 v57, v18;
	v57 =	vadd.s32 $0xB4C00000, v56  }
0xa3: {  	v47 =	vadd.s32 $0xB4C00000, v50;
	v39 =	vadd.f32 v10, v55;
	[tilespmem:v52+s10+$0x0] =	vst.idx.add.f32.msk $0xffff, v42;
	v42 =	vadd.f32 v7, v38  }
0xa4: {  	v40 =	vadd.s32 $0xB4C00000, v51;
	[tilespmem:v53+s10+$0x0] =	vst.idx.add.f32.msk $0xffff, v43;
	v43 =	vadd.f32 v11, v41;
	v60 =	vsub.f32 v61, v18  }
0xa5: {  	v46 =	vadd.s32 $0xB4C00000, v58;
	[tilespmem:v54+s10+$0x0] =	vst.idx.add.f32.msk $0xffff, v37;
	v61 =	vadd.f32 v8, v63;
	v63 =	vsub.f32 v59, v18  }
0xa6: {  	[tilespmem:v49+s10+$0x0] =	vst.idx.add.f32.msk $0xffff, v36;
	v41 =	vadd.s32 $0xB4C00000, v62;
	v31 =	vadd.f32 v12, v48;
	v48 =	vmul.f32 v24, v17  }
0xa7: {  	s22 =	simm.s32 $0x4000;
	v45 =	vadd.f32 v5, v60;
	v37 =	vadd.s32 $0xB4C00000, v61;
	v36 =	vadd.f32 v13, v63;
	[tilespmem:v57+s10+$0x0] =	vst.idx.add.f32.msk $0xffff, v34  }
.LBB2_5:
0xa8: {  	[tilespmem:v47+s10+$0x0] =	vst.idx.add.f32.msk $0xffff, v19;
	v19 =	vmov v24;
	v34 =	vmov v26;
	s21 =	smov.u32 s22  }
0xa9: {  	s23 =	sshrl.u32 s22, $0x2;
	s20 =	sadd.s32 $0x8, s20;
	v38 =	vmovc v27;
	v49 =	vmovc v29;
	v50 =	vmov v30;
	v47 =	vmov v32;
	v51 =	vmov v35;
	s21 =	sadd.s32 $0x2000, s22  }
0xaa: {  	p0 =	sne.s32 s22, $0xFE000;
	s24 =	sand.u32 $0x380, s20;
	s23 =	sand.u32 $0x7800, s23;
	[tilespmem:v46+s10+$0x0] =	vst.idx.add.f32.msk $0xffff, v20;
	v20 =	vsub.f32 v48, v18  }
0xab: {  	s22 =	sor.u32 s24, s23;
	[tilespmem:v40+s10+$0x0] =	vst.idx.add.f32.msk $0xffff, v22  }
0xac: {  	v24 =	vadd.s32 $0xB4C00000, v45;
	v46 =	vld [tilespmem:s22+$0x10];
	v45 =	vadd.f32 v16, v20  }
0xad: {  	v20 =	vld [tilespmem:s22+$0x30]  }
0xae: {  	v52 =	vadd.s32 $0xB4C00000, v43;
	v48 =	vld [tilespmem:s22+$0x20]  }
0xaf: {  	v43 =	vld [tilespmem:s22+$0x0]  }
0xb0: {  	v22 =	vld [tilespmem:s22+$0x40]  }
0xb1: {  	[tilespmem:v24+s10+$0x0] =	vst.idx.add.f32.msk $0xffff, v33  }
0xb2: {  	[tilespmem:v41+s10+$0x0] =	vst.idx.add.f32.msk $0xffff, v23  }
0xb3: {  	v26 =	vmul.f32 v46, v17;
	v24 =	vld [tilespmem:s22+$0x470];
	v27 =	vmul.f32 v48, v17  }
0xb4: {  	v30 =	vmul.f32 v20, v17;
	v53 =	vld [tilespmem:s22+$0x420];
	v29 =	vmul.f32 v43, v17  }
0xb5: {  	v33 =	vsub.f32 v44, v18;
	v23 =	vld [tilespmem:s22+$0x60];
	v27 =	vsub.f32 v27, v18;
	v32 =	vmul.f32 v22, v17  }
0xb6: {  	v54 =	vld [tilespmem:s22+$0x410];
	v35 =	vsub.f32 v29, v18;
	v29 =	vsub.f32 v26, v18  }
0xb7: {  	v26 =	vld [tilespmem:s22+$0x460];
	v41 =	vadd.f32 v2, v27;
	v32 =	vsub.f32 v32, v18  }
0xb8: {  	v42 =	vadd.s32 $0xB4C00000, v42;
	v40 =	vsub.f32 v30, v18;
	v27 =	vld [tilespmem:s22+$0x450];
	v44 =	vadd.f32 v1, v29  }
0xb9: {  	v57 =	vadd.f32 v15, v33;
	v29 =	vld [tilespmem:s22+$0x440];
	v55 =	vadd.f32 v4, v32;
	v56 =	vmul.f32 v53, v17  }
0xba: {  	v58 =	vadd.f32 v3, v40;
	v33 =	vadd.f32 v0, v35;
	v30 =	vld [tilespmem:s22+$0x430];
	v59 =	vmul.f32 v23, v17  }
0xbb: {  	v60 =	vadd.s32 $0xB4C00000, v28;
	v32 =	vld [tilespmem:s22+$0x400];
	v40 =	vadd.s32 $0xB4C00000, v55;
	v55 =	vmul.f32 v54, v17  }
0xbc: {  	v61 =	vadd.s32 $0xB4C00000, v33;
	v56 =	vsub.f32 v56, v18;
	v35 =	vld [tilespmem:s22+$0x70];
	v28 =	vsub.f32 v59, v18  }
0xbd: {  	v44 =	vadd.s32 $0xB4C00000, v44;
	v33 =	vld [tilespmem:s22+$0x50];
	v55 =	vsub.f32 v55, v18;
	v59 =	vmul.f32 v27, v17  }
0xbe: {  	v62 =	vadd.s32 $0xB4C00000, v41;
	v41 =	vadd.f32 v6, v28;
	v63 =	vmul.f32 v29, v17;
	[tilespmem:v42+s10+$0x0] =	vst.idx.add.f32.msk $0xffff, v51  }
0xbf: {  	v28 =	vadd.f32 v9, v55;
	v42 =	vmul.f32 v30, v17;
	[tilespmem:v37+s10+$0x0] =	vst.idx.add.f32.msk $0xffff, v47;
	v37 =	vadd.s32 $0xB4C00000, v39  }
0xc0: {  	v41 =	vadd.s32 $0xB4C00000, v41;
	v39 =	vmul.f32 v32, v17;
	v51 =	vsub.f32 v63, v18;
	[tilespmem:v60+s10+$0x0] =	vst.idx.add.f32.msk $0xffff, v25  }
0xc1: {  	v55 =	vadd.s32 $0xB4C00000, v31;
	[tilespmem:v61+s10+$0x0] =	vst.idx.add.f32.msk $0xffff, v43;
	v25 =	vmul.f32 v35, v17;
	v42 =	vsub.f32 v42, v18  }
0xc2: {  	v36 =	vadd.s32 $0xB4C00000, v36;
	[tilespmem:v44+s10+$0x0] =	vst.idx.add.f32.msk $0xffff, v46;
	v31 =	vmul.f32 v33, v17;
	v39 =	vsub.f32 v39, v18  }
0xc3: {  	v57 =	vadd.s32 $0xB4C00000, v57;
	[tilespmem:v62+s10+$0x0] =	vst.idx.add.f32.msk $0xffff, v48;
	v25 =	vsub.f32 v25, v18;
	v43 =	vadd.f32 v11, v42  }
.Ltmp1:
0xc4: {  	v47 =	vadd.s32 $0xB4C00000, v45;
	v44 =	vsub.f32 v31, v18;
	v39 =	vadd.f32 v8, v39;
	[tilespmem:v37+s10+$0x0] =	vst.idx.add.f32.msk $0xffff, v21;
	(pc) =	sbr.rel @p0 .LBB2_5-.Ltmp1, $4  }
0xc5: {  	v46 =	vadd.s32 $0xB4C00000, v58;
	v31 =	vadd.f32 v12, v51;
	v42 =	vadd.f32 v7, v25;
	[tilespmem:v52+s10+$0x0] =	vst.idx.add.f32.msk $0xffff, v50  }
0xc6: {  	v50 =	vsub.f32 v59, v18;
	v45 =	vadd.f32 v5, v44;
	v37 =	vadd.s32 $0xB4C00000, v39;
	[tilespmem:v55+s10+$0x0] =	vst.idx.add.f32.msk $0xffff, v49  }
0xc7: {  	v21 =	vmov v53;
	v39 =	vadd.f32 v10, v56;
	v44 =	vmul.f32 v26, v17;
	[tilespmem:v36+s10+$0x0] =	vst.idx.add.f32.msk $0xffff, v38  }
0xc8: {  	s22 =	smov.u32 s21;
	v48 =	vmul.f32 v24, v17;
	v36 =	vadd.f32 v13, v50;
	v25 =	vmov v54;
	[tilespmem:v57+s10+$0x0] =	vst.idx.add.f32.msk $0xffff, v34  }
0xc9: {  	_ =	sdelay $0x1  }
0xca: {  	v34 =	vadd.s32 $0xB4C00000, v45;
	_ =	sdelay $0x1  }
0xcb: {  	[tilespmem:v47+s10+$0x0] =	vst.idx.add.f32.msk $0xffff, v19;
	v19 =	vadd.s32 $0xB4C00000, v42  }
0xcc: {  	[tilespmem:v46+s10+$0x0] =	vst.idx.add.f32.msk $0xffff, v20  }
0xcd: {  	v20 =	vadd.s32 $0xB4C00000, v28;
	[tilespmem:v40+s10+$0x0] =	vst.idx.add.f32.msk $0xffff, v22  }
0xce: {  	v28 =	vadd.s32 $0xB4C00000, v39;
	v22 =	vsub.f32 v44, v18;
	[tilespmem:v34+s10+$0x0] =	vst.idx.add.f32.msk $0xffff, v33  }
0xcf: {  	v54 =	vadd.s32 $0xB4C00000, v43;
	v53 =	vsub.f32 v48, v18;
	[tilespmem:v41+s10+$0x0] =	vst.idx.add.f32.msk $0xffff, v23  }
0xd0: {  	v22 =	vadd.f32 v15, v22;
	[tilespmem:v19+s10+$0x0] =	vst.idx.add.f32.msk $0xffff, v35;
	v19 =	vadd.s32 $0xB4C00000, v31  }
0xd1: {  	v23 =	vadd.f32 v16, v53;
	v31 =	vadd.s32 $0xB4C00000, v36;
	[tilespmem:v37+s10+$0x0] =	vst.idx.add.f32.msk $0xffff, v32  }
0xd2: {  	[tilespmem:v20+s10+$0x0] =	vst.idx.add.f32.msk $0xffff, v25;
	v20 =	vadd.s32 $0xB4C00000, v22  }
0xd3: {  	[tilespmem:v28+s10+$0x0] =	vst.idx.add.f32.msk $0xffff, v21;
	v21 =	vadd.s32 $0xB4C00000, v23  }
0xd4: {  	[tilespmem:v54+s10+$0x0] =	vst.idx.add.f32.msk $0xffff, v30  }
0xd5: {  	[tilespmem:v19+s10+$0x0] =	vst.idx.add.f32.msk $0xffff, v29  }
0xd6: {  	p0 =	seq.s32 s19, $0x7;
	[tilespmem:v31+s10+$0x0] =	vst.idx.add.f32.msk $0xffff, v27  }
0xd7: {  	s20 =	sshll.u32 @!p0 s19, $0xD;
	[tilespmem:v20+s10+$0x0] =	vst.idx.add.f32.msk $0xffff, v26  }
0xd8: {  	s21 =	simm.s32 @!p0 $0x0;
	s20 =	sadd.s32 @!p0 s6, s20;
	[tilespmem:v21+s10+$0x0] =	vst.idx.add.f32.msk $0xffff, v24  }
0xd9: {  	[tilespmem:s21], [sflag:$0x1] =	stream.linear.gather @!p0 [hbm4b:s20+s21], $0x8000, $0x38;
	[tilespmem:$0x18400] =	vst v63  }
0xda: {  	s29 =	simm.s32 $0x0;
	s30 =	simm.s32 $0x0;
	_ =	swait.ge [sflag:s15], $0x8000  }
0xdb: {  	s20 =	sand.u32 $0x380, s29;
	s21 =	sand.u32 $0x7800, s30;
	[sflag:s15] =	ssyncset.done $0x0  }
0xdc: {  	s20 =	sor.u32 s20, s21;
	[sflag:s15] =	ssyncadd.s32 $0xFFFF8000  }
0xdd: {  	v20 =	vld [tilespmem:s20+$0x8000]  }
0xde: {  	v21 =	vld [tilespmem:s20+$0x8010]  }
0xdf: {  	v22 =	vld [tilespmem:s20+$0x8020]  }
0xe0: {  	v23 =	vld [tilespmem:s20+$0x8030]  }
0xe1: {  	v24 =	vld [tilespmem:s20+$0x8040]  }
0xe2: {  	v19 =	vld [tilespmem:s20+$0x8470]  }
0xe3: {  	v31 =	vld [tilespmem:s20+$0x8420]  }
0xe4: {  	v28 =	vld [tilespmem:s20+$0x8060]  }
0xe5: {  	v38 =	vld [tilespmem:s20+$0x8410]  }
0xe6: {  	v34 =	vld [tilespmem:s20+$0x8460]  }
0xe7: {  	v55 =	vld [tilespmem:s20+$0x8050];
	v25 =	vmul.f32 v20, v17  }
0xe8: {  	v36 =	vld [tilespmem:s20+$0x8450];
	v26 =	vmul.f32 v21, v17  }
0xe9: {  	v37 =	vld [tilespmem:s20+$0x8440];
	v27 =	vmul.f32 v22, v17;
	v25 =	vsub.f32 v25, v18  }
0xea: {  	v39 =	vld [tilespmem:s20+$0x8430];
	v26 =	vsub.f32 v26, v18  }
0xeb: {  	v40 =	vld [tilespmem:s20+$0x8400];
	v29 =	vmul.f32 v23, v17;
	v27 =	vsub.f32 v27, v18;
	v25 =	vadd.f32 v0, v25  }
0xec: {  	s31 =	simm.s32 $0x800;
	v41 =	vld [tilespmem:s20+$0x8070];
	s20 =	simm.s32 $0x8;
	v30 =	vmul.f32 v24, v17;
	v26 =	vadd.f32 v1, v26  }
0xed: {  	s21 =	sand.u32 $0x7800, s31;
	s22 =	sand.u32 $0x380, s20;
	v29 =	vsub.f32 v29, v18;
	v27 =	vadd.f32 v2, v27;
	v25 =	vadd.s32 $0xB4C00000, v25  }
0xee: {  	s21 =	sor.u32 s22, s21;
	v30 =	vsub.f32 v30, v18;
	v26 =	vadd.s32 $0xB4C00000, v26  }
0xef: {  	v42 =	vld [tilespmem:s21+$0x8010];
	v29 =	vadd.f32 v3, v29;
	v27 =	vadd.s32 $0xB4C00000, v27  }
0xf0: {  	v43 =	vld [tilespmem:s21+$0x8020];
	v56 =	vmul.f32 v28, v17;
	v58 =	vmul.f32 v31, v17;
	v30 =	vadd.f32 v4, v30  }
0xf1: {  	v45 =	vld [tilespmem:s21+$0x8000];
	v57 =	vmul.f32 v55, v17;
	v59 =	vmul.f32 v38, v17;
	v29 =	vadd.s32 $0xB4C00000, v29  }
0xf2: {  	v30 =	vadd.s32 $0xB4C00000, v30;
	[tilespmem:v25+s10+$0x0] =	vst.idx.add.f32.msk $0xffff, v20;
	v20 =	vsub.f32 v56, v18;
	v25 =	vsub.f32 v58, v18  }
0xf3: {  	[tilespmem:v26+s10+$0x0] =	vst.idx.add.f32.msk $0xffff, v21;
	v21 =	vsub.f32 v57, v18;
	v26 =	vsub.f32 v59, v18  }
0xf4: {  	[tilespmem:v27+s10+$0x0] =	vst.idx.add.f32.msk $0xffff, v22;
	v20 =	vadd.f32 v6, v20;
	v22 =	vmul.f32 v37, v17  }
0xf5: {  	v32 =	vld [tilespmem:s21+$0x8400];
	v27 =	vmul.f32 v41, v17;
	v48 =	vadd.f32 v10, v25;
	v25 =	vmul.f32 v34, v17  }
0xf6: {  	v21 =	vadd.f32 v5, v21;
	[tilespmem:v29+s10+$0x0] =	vst.idx.add.f32.msk $0xffff, v23;
	v23 =	vmul.f32 v39, v17  }
0xf7: {  	v33 =	vadd.f32 v9, v26;
	[tilespmem:v30+s10+$0x0] =	vst.idx.add.f32.msk $0xffff, v24;
	v24 =	vmul.f32 v40, v17;
	v26 =	vadd.s32 $0xB4C00000, v20  }
0xf8: {  	v20 =	vld [tilespmem:s21+$0x8030];
	v27 =	vsub.f32 v27, v18;
	v30 =	vsub.f32 v22, v18;
	v21 =	vadd.s32 $0xB4C00000, v21  }
0xf9: {  	v22 =	vld [tilespmem:s21+$0x8040];
	v62 =	vsub.f32 v25, v18;
	v23 =	vsub.f32 v23, v18  }
0xfa: {  	v35 =	vld [tilespmem:s21+$0x8070];
	v24 =	vsub.f32 v24, v18;
	v61 =	vadd.f32 v7, v27;
	v27 =	vmul.f32 v42, v17  }
0xfb: {  	v29 =	vmul.f32 v36, v17;
	v25 =	vld [tilespmem:s21+$0x8410];
	v47 =	vadd.f32 v12, v30;
	v56 =	vadd.f32 v15, v62  }
0xfc: {  	v44 =	vadd.f32 v11, v23;
	v23 =	vmul.f32 v19, v17;
	v52 =	vsub.f32 v27, v18;
	v27 =	vld [tilespmem:s21+$0x8450]  }
0xfd: {  	v60 =	vadd.f32 v8, v24;
	v24 =	vsub.f32 v29, v18;
	v46 =	vadd.s32 $0xB4C00000, v61;
	[tilespmem:v21+s10+$0x0] =	vst.idx.add.f32.msk $0xffff, v55  }
0xfe: {  	v30 =	vmul.f32 v22, v17;
	v51 =	vmul.f32 v20, v17;
	v21 =	vsub.f32 v23, v18;
	v23 =	vld [tilespmem:s21+$0x8060]  }
0xff: {  	v54 =	vadd.s32 $0xB4C00000, v60;
	v52 =	vadd.f32 v1, v52;
	[tilespmem:v26+s10+$0x0] =	vst.idx.add.f32.msk $0xffff, v28;
	v26 =	vmul.f32 v43, v17  }
0x100: {  	v28 =	vmul.f32 v45, v17;
	v30 =	vsub.f32 v30, v18;
	v50 =	vadd.f32 v16, v21;
	v21 =	vld [tilespmem:s21+$0x8420]  }
0x101: {  	v60 =	vadd.s32 $0xB4C00000, v33;
	v63 =	vsub.f32 v51, v18;
	v29 =	vsub.f32 v26, v18;
	v26 =	vld [tilespmem:s21+$0x8460]  }
0x102: {  	v59 =	vmul.f32 v25, v17;
	v28 =	vsub.f32 v28, v18;
	v51 =	vadd.f32 v4, v30;
	v30 =	vld [tilespmem:s21+$0x8430]  }
0x103: {  	v44 =	vadd.s32 $0xB4C00000, v44;
	v49 =	vadd.f32 v13, v24;
	[tilespmem:v46+s10+$0x0] =	vst.idx.add.f32.msk $0xffff, v41;
	v46 =	vadd.s32 $0xB4C00000, v48  }
0x104: {  	v52 =	vadd.s32 $0xB4C00000, v52;
	v53 =	vadd.f32 v2, v29;
	v29 =	vld [tilespmem:s21+$0x8440];
	v28 =	vadd.f32 v0, v28  }
0x105: {  	v49 =	vadd.s32 $0xB4C00000, v49;
	v58 =	vadd.f32 v3, v63;
	v57 =	vmul.f32 v23, v17;
	[tilespmem:v54+s10+$0x0] =	vst.idx.add.f32.msk $0xffff, v40  }
0x106: {  	[tilespmem:v60+s10+$0x0] =	vst.idx.add.f32.msk $0xffff, v38;
	v60 =	vmul.f32 v35, v17;
	v55 =	vmul.f32 v21, v17;
	v61 =	vadd.s32 $0xB4C00000, v28  }
0x107: {  	v33 =	vld [tilespmem:s21+$0x8050];
	v28 =	vsub.f32 v57, v18;
	v57 =	vsub.f32 v59, v18;
	v59 =	vmul.f32 v27, v17  }
0x108: {  	v53 =	vadd.s32 $0xB4C00000, v53;
	v41 =	vmul.f32 v30, v17;
	v38 =	vsub.f32 v60, v18;
	[tilespmem:v46+s10+$0x0] =	vst.idx.add.f32.msk $0xffff, v31  }
0x109: {  	v55 =	vsub.f32 v55, v18;
	v62 =	vadd.f32 v6, v28;
	v63 =	vmul.f32 v29, v17  }
0x10a: {  	v54 =	vadd.s32 $0xB4C00000, v47;
	v28 =	vadd.f32 v9, v57;
	v57 =	vmul.f32 v32, v17;
	[tilespmem:v44+s10+$0x0] =	vst.idx.add.f32.msk $0xffff, v39  }
0x10b: {  	v24 =	vld [tilespmem:s21+$0x8470];
	v44 =	vmul.f32 v26, v17;
	v41 =	vsub.f32 v41, v18;
	v48 =	vsub.f32 v63, v18  }
0x10c: {  	[tilespmem:v61+s10+$0x0] =	vst.idx.add.f32.msk $0xffff, v45;
	v61 =	vmul.f32 v33, v17;
	v63 =	vsub.f32 v57, v18;
	v57 =	vadd.s32 $0xB4C00000, v56  }
0x10d: {  	v47 =	vadd.s32 $0xB4C00000, v50;
	v39 =	vadd.f32 v10, v55;
	[tilespmem:v52+s10+$0x0] =	vst.idx.add.f32.msk $0xffff, v42;
	v42 =	vadd.f32 v7, v38  }
0x10e: {  	v40 =	vadd.s32 $0xB4C00000, v51;
	[tilespmem:v53+s10+$0x0] =	vst.idx.add.f32.msk $0xffff, v43;
	v43 =	vadd.f32 v11, v41;
	v60 =	vsub.f32 v61, v18  }
0x10f: {  	v46 =	vadd.s32 $0xB4C00000, v58;
	[tilespmem:v54+s10+$0x0] =	vst.idx.add.f32.msk $0xffff, v37;
	v61 =	vadd.f32 v8, v63;
	v63 =	vsub.f32 v59, v18  }
0x110: {  	[tilespmem:v49+s10+$0x0] =	vst.idx.add.f32.msk $0xffff, v36;
	v41 =	vadd.s32 $0xB4C00000, v62;
	v31 =	vadd.f32 v12, v48;
	v48 =	vmul.f32 v24, v17  }
0x111: {  	s22 =	simm.s32 $0x4000;
	v45 =	vadd.f32 v5, v60;
	v37 =	vadd.s32 $0xB4C00000, v61;
	v36 =	vadd.f32 v13, v63;
	[tilespmem:v57+s10+$0x0] =	vst.idx.add.f32.msk $0xffff, v34  }
.LBB2_7:
0x112: {  	[tilespmem:v47+s10+$0x0] =	vst.idx.add.f32.msk $0xffff, v19;
	v19 =	vmov v24;
	v34 =	vmov v26;
	s21 =	smov.u32 s22  }
0x113: {  	s23 =	sshrl.u32 s22, $0x2;
	s20 =	sadd.s32 $0x8, s20;
	v38 =	vmovc v27;
	v49 =	vmovc v29;
	v50 =	vmov v30;
	v47 =	vmov v32;
	v51 =	vmov v35;
	s21 =	sadd.s32 $0x2000, s22  }
0x114: {  	p1 =	sne.s32 s22, $0xFE000;
	s24 =	sand.u32 $0x380, s20;
	s23 =	sand.u32 $0x7800, s23;
	[tilespmem:v46+s10+$0x0] =	vst.idx.add.f32.msk $0xffff, v20;
	v20 =	vsub.f32 v48, v18  }
0x115: {  	s22 =	sor.u32 s24, s23;
	[tilespmem:v40+s10+$0x0] =	vst.idx.add.f32.msk $0xffff, v22  }
0x116: {  	v24 =	vadd.s32 $0xB4C00000, v45;
	v46 =	vld [tilespmem:s22+$0x8010];
	v45 =	vadd.f32 v16, v20  }
0x117: {  	v20 =	vld [tilespmem:s22+$0x8030]  }
0x118: {  	v52 =	vadd.s32 $0xB4C00000, v43;
	v48 =	vld [tilespmem:s22+$0x8020]  }
0x119: {  	v43 =	vld [tilespmem:s22+$0x8000]  }
0x11a: {  	v22 =	vld [tilespmem:s22+$0x8040]  }
0x11b: {  	[tilespmem:v24+s10+$0x0] =	vst.idx.add.f32.msk $0xffff, v33  }
0x11c: {  	[tilespmem:v41+s10+$0x0] =	vst.idx.add.f32.msk $0xffff, v23  }
0x11d: {  	v26 =	vmul.f32 v46, v17;
	v24 =	vld [tilespmem:s22+$0x8470];
	v27 =	vmul.f32 v48, v17  }
0x11e: {  	v30 =	vmul.f32 v20, v17;
	v53 =	vld [tilespmem:s22+$0x8420];
	v29 =	vmul.f32 v43, v17  }
0x11f: {  	v33 =	vsub.f32 v44, v18;
	v23 =	vld [tilespmem:s22+$0x8060];
	v27 =	vsub.f32 v27, v18;
	v32 =	vmul.f32 v22, v17  }
0x120: {  	v54 =	vld [tilespmem:s22+$0x8410];
	v35 =	vsub.f32 v29, v18;
	v29 =	vsub.f32 v26, v18  }
0x121: {  	v26 =	vld [tilespmem:s22+$0x8460];
	v41 =	vadd.f32 v2, v27;
	v32 =	vsub.f32 v32, v18  }
0x122: {  	v42 =	vadd.s32 $0xB4C00000, v42;
	v40 =	vsub.f32 v30, v18;
	v27 =	vld [tilespmem:s22+$0x8450];
	v44 =	vadd.f32 v1, v29  }
0x123: {  	v57 =	vadd.f32 v15, v33;
	v29 =	vld [tilespmem:s22+$0x8440];
	v55 =	vadd.f32 v4, v32;
	v56 =	vmul.f32 v53, v17  }
0x124: {  	v58 =	vadd.f32 v3, v40;
	v33 =	vadd.f32 v0, v35;
	v30 =	vld [tilespmem:s22+$0x8430];
	v59 =	vmul.f32 v23, v17  }
0x125: {  	v60 =	vadd.s32 $0xB4C00000, v28;
	v32 =	vld [tilespmem:s22+$0x8400];
	v40 =	vadd.s32 $0xB4C00000, v55;
	v55 =	vmul.f32 v54, v17  }
0x126: {  	v61 =	vadd.s32 $0xB4C00000, v33;
	v56 =	vsub.f32 v56, v18;
	v35 =	vld [tilespmem:s22+$0x8070];
	v28 =	vsub.f32 v59, v18  }
0x127: {  	v44 =	vadd.s32 $0xB4C00000, v44;
	v33 =	vld [tilespmem:s22+$0x8050];
	v55 =	vsub.f32 v55, v18;
	v59 =	vmul.f32 v27, v17  }
0x128: {  	v62 =	vadd.s32 $0xB4C00000, v41;
	v41 =	vadd.f32 v6, v28;
	v63 =	vmul.f32 v29, v17;
	[tilespmem:v42+s10+$0x0] =	vst.idx.add.f32.msk $0xffff, v51  }
0x129: {  	v28 =	vadd.f32 v9, v55;
	v42 =	vmul.f32 v30, v17;
	[tilespmem:v37+s10+$0x0] =	vst.idx.add.f32.msk $0xffff, v47;
	v37 =	vadd.s32 $0xB4C00000, v39  }
0x12a: {  	v41 =	vadd.s32 $0xB4C00000, v41;
	v39 =	vmul.f32 v32, v17;
	v51 =	vsub.f32 v63, v18;
	[tilespmem:v60+s10+$0x0] =	vst.idx.add.f32.msk $0xffff, v25  }
0x12b: {  	v55 =	vadd.s32 $0xB4C00000, v31;
	[tilespmem:v61+s10+$0x0] =	vst.idx.add.f32.msk $0xffff, v43;
	v25 =	vmul.f32 v35, v17;
	v42 =	vsub.f32 v42, v18  }
0x12c: {  	v36 =	vadd.s32 $0xB4C00000, v36;
	[tilespmem:v44+s10+$0x0] =	vst.idx.add.f32.msk $0xffff, v46;
	v31 =	vmul.f32 v33, v17;
	v39 =	vsub.f32 v39, v18  }
0x12d: {  	v57 =	vadd.s32 $0xB4C00000, v57;
	[tilespmem:v62+s10+$0x0] =	vst.idx.add.f32.msk $0xffff, v48;
	v25 =	vsub.f32 v25, v18;
	v43 =	vadd.f32 v11, v42  }
.Ltmp2:
0x12e: {  	v47 =	vadd.s32 $0xB4C00000, v45;
	v44 =	vsub.f32 v31, v18;
	v39 =	vadd.f32 v8, v39;
	[tilespmem:v37+s10+$0x0] =	vst.idx.add.f32.msk $0xffff, v21;
	(pc) =	sbr.rel @p1 .LBB2_7-.Ltmp2, $4  }
0x12f: {  	v46 =	vadd.s32 $0xB4C00000, v58;
	v31 =	vadd.f32 v12, v51;
	v42 =	vadd.f32 v7, v25;
	[tilespmem:v52+s10+$0x0] =	vst.idx.add.f32.msk $0xffff, v50  }
0x130: {  	v50 =	vsub.f32 v59, v18;
	v45 =	vadd.f32 v5, v44;
	v37 =	vadd.s32 $0xB4C00000, v39;
	[tilespmem:v55+s10+$0x0] =	vst.idx.add.f32.msk $0xffff, v49  }
0x131: {  	v21 =	vmov v53;
	v39 =	vadd.f32 v10, v56;
	v44 =	vmul.f32 v26, v17;
	[tilespmem:v36+s10+$0x0] =	vst.idx.add.f32.msk $0xffff, v38  }
0x132: {  	s22 =	smov.u32 s21;
	v48 =	vmul.f32 v24, v17;
	v36 =	vadd.f32 v13, v50;
	v25 =	vmov v54;
	[tilespmem:v57+s10+$0x0] =	vst.idx.add.f32.msk $0xffff, v34  }
0x133: {  	_ =	sdelay $0x1  }
0x134: {  	v34 =	vadd.s32 $0xB4C00000, v45;
	_ =	sdelay $0x1  }
0x135: {  	[tilespmem:v47+s10+$0x0] =	vst.idx.add.f32.msk $0xffff, v19;
	v19 =	vadd.s32 $0xB4C00000, v42  }
0x136: {  	[tilespmem:v46+s10+$0x0] =	vst.idx.add.f32.msk $0xffff, v20  }
0x137: {  	v20 =	vadd.s32 $0xB4C00000, v28;
	[tilespmem:v40+s10+$0x0] =	vst.idx.add.f32.msk $0xffff, v22  }
0x138: {  	v57 =	vsub.f32 v44, v18;
	v58 =	vadd.s32 $0xB4C00000, v39;
	[tilespmem:v34+s10+$0x0] =	vst.idx.add.f32.msk $0xffff, v33  }
0x139: {  	v60 =	vadd.s32 $0xB4C00000, v43;
	v59 =	vsub.f32 v48, v18;
	[tilespmem:v41+s10+$0x0] =	vst.idx.add.f32.msk $0xffff, v23  }
0x13a: {  	v22 =	vadd.f32 v15, v57;
	[tilespmem:v19+s10+$0x0] =	vst.idx.add.f32.msk $0xffff, v35;
	v19 =	vadd.s32 $0xB4C00000, v31  }
0x13b: {  	v62 =	vadd.s32 $0xB4C00000, v36;
	v61 =	vadd.f32 v16, v59;
	[tilespmem:v37+s10+$0x0] =	vst.idx.add.f32.msk $0xffff, v32  }
0x13c: {  	[tilespmem:v20+s10+$0x0] =	vst.idx.add.f32.msk $0xffff, v25;
	v20 =	vadd.s32 $0xB4C00000, v22  }
0x13d: {  	v63 =	vadd.s32 $0xB4C00000, v61;
	[tilespmem:v58+s10+$0x0] =	vst.idx.add.f32.msk $0xffff, v21  }
.Ltmp3:
0x13e: {  	[tilespmem:v60+s10+$0x0] =	vst.idx.add.f32.msk $0xffff, v30;
	(pc) =	sbr.rel @p0 .LBB2_9-.Ltmp3, $4  }
0x13f: {  	[tilespmem:v19+s10+$0x0] =	vst.idx.add.f32.msk $0xffff, v29  }
0x140: {  	[tilespmem:v62+s10+$0x0] =	vst.idx.add.f32.msk $0xffff, v27  }
0x141: {  	[tilespmem:v20+s10+$0x0] =	vst.idx.add.f32.msk $0xffff, v26  }
0x142: {  	[tilespmem:v63+s10+$0x0] =	vst.idx.add.f32.msk $0xffff, v24  }
.Ltmp4:
0x143: {  	(pc) =	sbr.rel .LBB2_4-.Ltmp4, $4  }
0x144: {  	_ = 	snop  }
0x145: {  	s20 =	sshll.u32 s19, $0xD  }
0x146: {  	s19 =	sadd.s32 $0x1, s19;
	s20 =	sadd.s32 s7, s20  }
0x147: {  	[tilespmem:s9], [sflag:$0x2] =	stream.linear.gather [hbm4b:s20+s2], $0x8000, $0x38;
	[tilespmem:$0x18400] =	vst v63  }
.LBB2_9:
0x148: {  	s20 =	simm.s32 $0x0  }
0x149: {  	v17 =	vld [tilespmem:s20+$0x10071]  }
0x14a: {  	v19 =	vld [tilespmem:s20+$0x10001]  }
0x14b: {  	v20 =	vld [tilespmem:s20+$0x10011]  }
0x14c: {  	v29 =	vld [tilespmem:s20+$0x10021]  }
0x14d: {  	v27 =	vld [tilespmem:s20+$0x10031]  }
0x14e: {  	v18 =	vimm.f32 $0.0e+00;
	v23 =	vimm.f32 $0.0e+00;
	v24 =	vld [tilespmem:s20+$0x10041]  }
0x14f: {  	v25 =	vimm.f32 $0.0e+00;
	v21 =	vimm.f32 $0.0e+00;
	v26 =	vld [tilespmem:s20+$0x10051];
	v17 =	vadd.f32 v17, v18  }
0x150: {  	s18 =	simm.s32 $0x83;
	s19 =	simm.s32 $0x418;
	v28 =	vld [tilespmem:s20+$0x10061];
	v22 =	vadd.f32 v19, v18;
	v20 =	vadd.f32 v20, v18;
	v19 =	vimm.f32 $0.0e+00  }
.LBB2_10:
0x151: {  	p0 =	sne.s32 s19, $0x209F4;
	v30 =	vld [tilespmem:s18+$0x10071];
	v18 =	vadd.f32 v29, v18  }
0x152: {  	v31 =	vld [tilespmem:s18+$0x10001];
	v23 =	vadd.f32 v27, v23  }
0x153: {  	v32 =	vld [tilespmem:s18+$0x10011];
	v25 =	vadd.f32 v24, v25  }
.Ltmp5:
0x154: {  	v29 =	vld [tilespmem:s18+$0x10021];
	v21 =	vadd.f32 v26, v21;
	(pc) =	sbr.rel @p0 .LBB2_10-.Ltmp5, $4  }
0x155: {  	v27 =	vld [tilespmem:s18+$0x10031];
	v19 =	vadd.f32 v28, v19  }
0x156: {  	v24 =	vld [tilespmem:s18+$0x10041];
	v17 =	vadd.f32 v30, v17  }
0x157: {  	v22 =	vadd.f32 v31, v22;
	v26 =	vld [tilespmem:s18+$0x10051]  }
0x158: {  	v20 =	vadd.f32 v32, v20;
	v28 =	vld [tilespmem:s18+$0x10061];
	s18 =	sshra.s32 s19, $0x2;
	s19 =	sadd.s32 $0x20C, s19  }
0x159: {  	v31 =	vld [tilespmem:s18+$0x10001]  }
0x15a: {  	v32 =	vld [tilespmem:s18+$0x10011]  }
0x15b: {  	v33 =	vld [tilespmem:s18+$0x10021]  }
0x15c: {  	v34 =	vld [tilespmem:s18+$0x10031]  }
0x15d: {  	v35 =	vld [tilespmem:s18+$0x10041]  }
0x15e: {  	v30 =	vld [tilespmem:s18+$0x10071];
	v18 =	vadd.f32 v29, v18;
	v22 =	vadd.f32 v31, v22  }
0x15f: {  	v61 =	vld [tilespmem:s18+$0x10061];
	v23 =	vadd.f32 v27, v23;
	v20 =	vadd.f32 v32, v20  }
0x160: {  	v60 =	vld [tilespmem:s18+$0x10051];
	v24 =	vadd.f32 v24, v25;
	v18 =	vadd.f32 v33, v18;
	[tilespmem:$0x18300] =	vst v22  }
0x161: {  	v62 =	vadd.f32 v34, v23;
	[tilespmem:$0x18310] =	vst v20  }
0x162: {  	v19 =	vadd.f32 v28, v19;
	v63 =	vadd.f32 v35, v24;
	[tilespmem:$0x18320] =	vst v18  }
0x163: {  	v21 =	vadd.f32 v26, v21;
	v17 =	vadd.f32 v30, v17;
	[tilespmem:$0x18330] =	vst v62  }
0x164: {  	v19 =	vadd.f32 v61, v19;
	[tilespmem:$0x18340] =	vst v63  }
0x165: {  	s17 =	sadd.s32 $0x1, s17;
	v18 =	vadd.f32 v60, v21;
	[tilespmem:$0x18370] =	vst v17  }
0x166: {  	p0 =	sne.s32 s17, s12;
	[tilespmem:$0x18360] =	vst v19  }
.Ltmp6:
0x167: {  	[tilespmem:$0x18350] =	vst v18;
	(pc) =	sbr.rel @p0 .LBB2_1-.Ltmp6, $4  }
0x168: {  	[hbm4b:s11+s2] =	stream.linear.scatter [tilespmem:s16], [sflag:$0x3], $0x80, $0x38;
	[tilespmem:$0x18400] =	vst v63  }
0x169: {  	_ =	swait.ge [sflag:s13], $0x80  }
0x16a: {  	[sflag:s13] =	ssyncset.done $0x0  }
0x16b: {  	[sflag:s13] =	ssyncadd.s32 $0xFFFFFF80  }
0x16c: {  	_ =	sfence.sel $0x180000  }
0x16d: {  	[bflag:$0x0] =	sbarrier.arrive $0xFFFF  }
0x16e: {  	p0 =	sne.s32 s0, $0x0;
	_ =	strace $0x90000047  }
0x16f: {  	s0 =	sadd.s32 @!p0 $0x100000, s1;
	[bflag:$0x2] =	sbarrier.arrive $0xFFFF  }
0x170: {  	[sflag:s0] =	ssyncadd.tile.s32 @!p0 $0x1;
	_ =	shalt  }
.Lfunc_end2:
_tile_overlayer_lowered:
.L_overlay_start_2:
0x171: {  	(tag) =	ssettag $0x2  }
0x172: {  	s0 =	rddreg [dreg:$0x0];
	s2 =	stileid.u32  }
0x173: {  	s1 =	rddreg [dreg:$0x1];
	p0 =	sne.s32 s2, $0x0  }
0x174: {  	s3 =	rddreg [dreg:$0x2];
	[bflag:$0x3] =	sbarrier.arrive $0xFFFF;
	s2 =	simm.s32 @!p0 $0x1C03  }
0x175: {  	[timem:s3], [sflag:s2] =	dma.local @!p0 [hbm:s0], s1  }
0x176: {  	s0 =	simm.s32 @!p0 $0x3  }
0x177: {  	_ =	swait.ge @!p0 [sflag:s0], s1  }
0x178: {  	s1 =	ssub.s32 @!p0 $0x0, s1;
	[sflag:s0] =	ssyncset.done @!p0 $0x0  }
0x179: {  	[sflag:s0] =	ssyncadd.s32 @!p0 s1  }
0x17a: {  	[bflag:$0x3] =	sbarrier.arrive $0xFFFF  }
0x17b: {  	_ =	shalt  }

</sc_bundles>
